<compile_context>
chip_gen: v7x
topology: tpu7x:2x2x1
jax: 0.10.2.dev20260603
libtpu: 0.0.44.dev20260713+nightly
codegen_flags: <defaults>
</compile_context>

<pallas_src>
import functools

import numpy as np
import jax
import jax.numpy as jnp
from jax import lax
from jax.experimental import pallas as pl
from jax.experimental.pallas import tpu as pltpu
from jax.experimental.pallas import tpu_sc as plsc

VOCAB = 100000
D_MODEL = 768
BATCH = 4
SEQ = 2048
SCALE = float(np.sqrt(float(D_MODEL)))

NC = 2
NS = 16
NW = NC * NS
PB = SEQ // NW
C = 64
NCH = PB // C
LG = D_MODEL // 16
LGP = D_MODEL // 32
NB = 2
NCHT = BATCH * NCH


def _positional_encoding_np(length, depth):
    half_depth = depth // 2
    positions = np.arange(length)[:, np.newaxis]
    exponents = np.arange(half_depth)[np.newaxis, :] * 2 / depth
    denom = 10000 ** exponents
    angles = positions / denom
    pos_encoding = np.zeros((length, depth), dtype=np.float64)
    pos_encoding[:, ::2] = np.sin(angles)
    pos_encoding[:, 1::2] = np.cos(angles)
    return pos_encoding.astype(np.float32)


def _pack_pos_bf16_np(pos):
    u = pos.view(np.uint32).astype(np.uint64)
    bf = ((u + 0x7FFF + ((u >> 16) & 1)) >> 16).astype(np.uint32)
    bf = bf.reshape(pos.shape[0], LGP, 2, 16)
    packed = (bf[:, :, 0, :] << 16) | bf[:, :, 1, :]
    return packed.reshape(pos.shape[0], D_MODEL // 2).view(np.int32)


_MESH = plsc.VectorSubcoreMesh(core_axis_name="c", subcore_axis_name="s")


@functools.partial(
    pl.kernel,
    mesh=_MESH,
    out_type=jax.ShapeDtypeStruct((BATCH * SEQ, D_MODEL), jnp.float32),
    scratch_types=[
        pltpu.VMEM((BATCH, NCH, C), jnp.int32),
        pltpu.VMEM((PB, D_MODEL // 2), jnp.int32),
    ] + [pltpu.VMEM((C, D_MODEL), jnp.float32) for _ in range(NB)]
      + [pltpu.SemaphoreType.DMA for _ in range(2 * NB + 1)],
)
def _embed(table_hbm, idx_hbm, pos_hbm, out_hbm, idx_v, pos_v, *rest):
    bufs = rest[:NB]
    gsems = rest[NB:2 * NB]
    wsems = rest[2 * NB:3 * NB]
    gsem_x = rest[3 * NB]

    wid = lax.axis_index("s") * NC + lax.axis_index("c")
    pbase = wid * PB

    pltpu.sync_copy(idx_hbm.at[wid], idx_v)
    pltpu.sync_copy(pos_hbm.at[pl.ds(pbase, PB)], pos_v)

    def start_gather(k, bi):
        b, c = divmod(k, NCH)
        return pltpu.async_copy(table_hbm.at[idx_v.at[b, c]], bufs[bi],
                                gsems[bi])

    def start_write(k, bi):
        b, c = divmod(k, NCH)
        out_base = b * SEQ + pbase + c * C
        return pltpu.async_copy(bufs[bi], out_hbm.at[pl.ds(out_base, C)],
                                wsems[bi])

    gcopy = [None] * NB
    wcopy = [None] * NB
    halfc = C // 2
    qc = C // 4
    g0a = pltpu.async_copy(table_hbm.at[idx_v.at[0, 0, pl.ds(0, qc)]],
                           bufs[0].at[pl.ds(0, qc)], gsems[0])
    g0b = pltpu.async_copy(table_hbm.at[idx_v.at[0, 0, pl.ds(qc, C - qc)]],
                           bufs[0].at[pl.ds(qc, C - qc)], gsem_x)
    gcopy[1 % NB] = start_gather(1, 1 % NB)

    hi_mask = jnp.int32(-65536)

    for k in range(NCHT):
        bi = k % NB
        kn = k + NB - 1
        if k > 0 and kn < NCHT:
            ni = kn % NB
            if wcopy[ni] is not None:
                for t in wcopy[ni]:
                    t.wait()
            gcopy[ni] = start_gather(kn, ni)
        if k == 0:
            g0a.wait()
        else:
            gcopy[bi].wait()

        buf = bufs[bi]
        poff = (k % NCH) * C

        def fma_rows(lo, hi):
            @plsc.parallel_loop(lo, hi, 1)
            def row_body(r):
                @plsc.parallel_loop(0, LGP, 1, unroll=4)
                def col_body(jj):
                    w = pos_v[poff + r, pl.ds(jj * 16, 16)]
                    pa = lax.bitcast_convert_type(w & hi_mask, jnp.float32)
                    pb = lax.bitcast_convert_type(lax.shift_left(w, 16),
                                                  jnp.float32)
                    sa = pl.ds(jj * 32, 16)
                    sb = pl.ds(jj * 32 + 16, 16)
                    buf[r, sa] = buf[r, sa] * SCALE + pa
                    buf[r, sb] = buf[r, sb] * SCALE + pb

        b, c = divmod(k, NCH)
        out_base = b * SEQ + pbase + c * C
        half = C // 2
        if k == 0:
            fma_rows(0, qc)
            t0 = pltpu.async_copy(buf.at[pl.ds(0, qc)],
                                  out_hbm.at[pl.ds(out_base, qc)],
                                  wsems[bi])
            g0b.wait()
            fma_rows(qc, C)
            t1 = pltpu.async_copy(buf.at[pl.ds(qc, C - qc)],
                                  out_hbm.at[pl.ds(out_base + qc, C - qc)],
                                  wsems[bi])
        else:
            fma_rows(0, half)
            t0 = pltpu.async_copy(buf.at[pl.ds(0, half)],
                                  out_hbm.at[pl.ds(out_base, half)],
                                  wsems[bi])
            fma_rows(half, C)
            t1 = pltpu.async_copy(buf.at[pl.ds(half, half)],
                                  out_hbm.at[pl.ds(out_base + half, half)],
                                  wsems[bi])
        wcopy[bi] = (t0, t1)

    for s in range(NB):
        if wcopy[s] is not None:
            for t in wcopy[s]:
                t.wait()


def kernel(x, table):
    pos = jnp.asarray(_pack_pos_bf16_np(_positional_encoding_np(SEQ, D_MODEL)))
    idx = (
        x.astype(jnp.int32)
        .reshape(BATCH, NW, NCH * C)
        .transpose(1, 0, 2)
        .reshape(NW, BATCH, NCH, C)
    )
    out = _embed(table, idx, pos)
    return out.reshape(BATCH, SEQ, D_MODEL)

# --- scband reference (transcript-rebuilt; emitter-appended) ---
"""Pipeline reference for scband-positional-embedding-7215545057544 (READ-ONLY COPY).

The authoritative reference and input builder live on the scoring server;
editing this copy changes nothing except your own understanding.
"""

import jax, jax.numpy as jnp
import numpy as np

VOCAB = 100000
D_MODEL = 768
BATCH = 4
SEQ = 2048
MAX_LEN = 2048


def _positional_encoding(length, depth):
    half_depth = depth // 2
    positions = np.arange(length)[:, np.newaxis]
    exponents = np.arange(half_depth)[np.newaxis, :] * 2 / depth
    denom = 10000 ** exponents
    angles = positions / denom
    pos_encoding = np.zeros((length, depth), dtype=np.float64)
    pos_encoding[:, ::2] = np.sin(angles)
    pos_encoding[:, 1::2] = np.cos(angles)
    return jnp.asarray(pos_encoding, dtype=jnp.float32)


def setup_inputs(seed: int = 0) -> dict:
    key = jax.random.key(seed)
    k1, k2 = jax.random.split(key)
    x = jax.random.randint(k1, (BATCH, SEQ), 0, VOCAB, dtype=jnp.int64 if jax.config.jax_enable_x64 else jnp.int32)
    table = jax.random.normal(k2, (VOCAB, D_MODEL), dtype=jnp.float32) * 0.05
    return {"x": x, "table": table}


def reference(x, table):
    pos_encoding = _positional_encoding(MAX_LEN, D_MODEL)
    length = x.shape[1]
    emb = jnp.take(table, x, axis=0)
    emb = emb * jnp.sqrt(jnp.asarray(D_MODEL, dtype=jnp.float32))
    out = emb + pos_encoding[jnp.newaxis, :length, :]
    return out

if __name__ == "__main__":
    import jax
    _d = setup_inputs()
    print(jax.jit(kernel)(*tuple(_d.values())))

</pallas_src>

<mosaic_0001>
#map = affine_map<(d0, d1) -> (0, 0)>
#map1 = affine_map<(d0, d1) -> (0, 0, 0, 0)>
module attributes {stable_mosaic.version = 14 : i64} {
  func.func @_embed(%arg0: i32, %arg1: i32, %arg2: memref<100000x768xf32, #tpu.memory_space<hbm>>, %arg3: memref<32x4x1x64xi32, #tpu.memory_space<hbm>>, %arg4: memref<2048x384xi32, #tpu.memory_space<hbm>>, %arg5: memref<8192x768xf32, #tpu.memory_space<hbm>>, %arg6: memref<4x1x64xi32, #tpu.memory_space<vmem>>, %arg7: memref<64x384xi32, #tpu.memory_space<vmem>>, %arg8: memref<64x768xf32, #tpu.memory_space<vmem>>, %arg9: memref<64x768xf32, #tpu.memory_space<vmem>>, %arg10: memref<!tpu.dma_semaphore, #tpu.memory_space<semaphore_mem>>, %arg11: memref<!tpu.dma_semaphore, #tpu.memory_space<semaphore_mem>>, %arg12: memref<!tpu.dma_semaphore, #tpu.memory_space<semaphore_mem>>, %arg13: memref<!tpu.dma_semaphore, #tpu.memory_space<semaphore_mem>>, %arg14: memref<!tpu.dma_semaphore, #tpu.memory_space<semaphore_mem>>) attributes {dimension_semantics = [#tpu.dimension_semantics<core_parallel>, #tpu.dimension_semantics<subcore_parallel>], iteration_bounds = array<i64: 2, 16>, scalar_prefetch = 0 : i64, scratch_operands = 9 : i64, tpu.core_type = #tpu.core_type<sc_vector_subcore>, window_params = [{transform_indices = #map}, {transform_indices = #map1}, {transform_indices = #map}, {transform_indices = #map}]} {
    %mul3A = arith.constant 2 : i32
    %mul3A_0 = arith.muli %arg1, %mul3A : i32
    %add3A = arith.addi %mul3A_0, %arg0 : i32
    %mul3A_1 = arith.constant 64 : i32
    %mul3A_2 = arith.muli %add3A, %mul3A_1 : i32
    "tpu.region"() ({
      %run_scoped3A = tpu.sem_alloc : memref<!tpu.dma_semaphore, #tpu.memory_space<semaphore_mem>>
      %dma_start3A_308 = arith.constant 0 : i32
      %dma_start3A_309 = arith.constant 0 : i32
      %dma_start3A_310 = arith.constant 0 : i32
      %dma_start3A_311 = tpu.memref_slice %arg3[%add3A, %dma_start3A_308, %dma_start3A_309, %dma_start3A_310] : memref<32x4x1x64xi32, #tpu.memory_space<hbm>> -> memref<1x4x1x64xi32, #tpu.memory_space<hbm>>
      %dma_start3A_312 = tpu.memref_squeeze %dma_start3A_311 : memref<1x4x1x64xi32, #tpu.memory_space<hbm>> -> memref<4x1x64xi32, #tpu.memory_space<hbm>>
      %dma_start3A_313 = arith.constant 0 : i32
      %dma_start3A_314 = arith.constant 0 : i32
      %dma_start3A_315 = arith.constant 0 : i32
      %dma_start3A_316 = tpu.memref_slice %arg3[%add3A, %dma_start3A_313, %dma_start3A_314, %dma_start3A_315] : memref<32x4x1x64xi32, #tpu.memory_space<hbm>> -> memref<1x4x1x64xi32, #tpu.memory_space<hbm>>
      %dma_start3A_317 = tpu.memref_squeeze %dma_start3A_316 : memref<1x4x1x64xi32, #tpu.memory_space<hbm>> -> memref<4x1x64xi32, #tpu.memory_space<hbm>>
      tpu.enqueue_dma source(%dma_start3A_317 : memref<4x1x64xi32, #tpu.memory_space<hbm>>) target(%arg6 : memref<4x1x64xi32, #tpu.memory_space<vmem>>) target_semaphore(%run_scoped3A : memref<!tpu.dma_semaphore, #tpu.memory_space<semaphore_mem>>)
      %dma_wait3A_318 = arith.constant 0 : i32
      %dma_wait3A_319 = arith.constant 0 : i32
      %dma_wait3A_320 = arith.constant 0 : i32
      %dma_wait3A_321 = tpu.memref_slice %arg3[%add3A, %dma_wait3A_318, %dma_wait3A_319, %dma_wait3A_320] : memref<32x4x1x64xi32, #tpu.memory_space<hbm>> -> memref<1x4x1x64xi32, #tpu.memory_space<hbm>>
      %dma_wait3A_322 = tpu.memref_squeeze %dma_wait3A_321 : memref<1x4x1x64xi32, #tpu.memory_space<hbm>> -> memref<4x1x64xi32, #tpu.memory_space<hbm>>
      %dma_wait3A_323 = arith.constant 0 : i32
      %dma_wait3A_324 = arith.constant 0 : i32
      %dma_wait3A_325 = arith.constant 0 : i32
      %dma_wait3A_326 = tpu.memref_slice %arg3[%add3A, %dma_wait3A_323, %dma_wait3A_324, %dma_wait3A_325] : memref<32x4x1x64xi32, #tpu.memory_space<hbm>> -> memref<1x4x1x64xi32, #tpu.memory_space<hbm>>
      %dma_wait3A_327 = tpu.memref_squeeze %dma_wait3A_326 : memref<1x4x1x64xi32, #tpu.memory_space<hbm>> -> memref<4x1x64xi32, #tpu.memory_space<hbm>>
      tpu.wait_dma2 semaphore(%run_scoped3A : memref<!tpu.dma_semaphore, #tpu.memory_space<semaphore_mem>>) src(%dma_wait3A_327 : memref<4x1x64xi32, #tpu.memory_space<hbm>>) dst(%arg6 : memref<4x1x64xi32, #tpu.memory_space<vmem>>)
      tpu.yield
    }) : () -> ()
    "tpu.region"() ({
      %run_scoped3A = tpu.sem_alloc : memref<!tpu.dma_semaphore, #tpu.memory_space<semaphore_mem>>
      %dma_start3A_308 = arith.constant 0 : i32
      %dma_start3A_309 = tpu.memref_slice %arg4[%mul3A_2, %dma_start3A_308] : memref<2048x384xi32, #tpu.memory_space<hbm>> -> memref<64x384xi32, #tpu.memory_space<hbm>>
      %dma_start3A_310 = arith.constant 0 : i32
      %dma_start3A_311 = tpu.memref_slice %arg4[%mul3A_2, %dma_start3A_310] : memref<2048x384xi32, #tpu.memory_space<hbm>> -> memref<64x384xi32, #tpu.memory_space<hbm>>
      tpu.enqueue_dma source(%dma_start3A_311 : memref<64x384xi32, #tpu.memory_space<hbm>>) target(%arg7 : memref<64x384xi32, #tpu.memory_space<vmem>>) target_semaphore(%run_scoped3A : memref<!tpu.dma_semaphore, #tpu.memory_space<semaphore_mem>>)
      %dma_wait3A_312 = arith.constant 0 : i32
      %dma_wait3A_313 = tpu.memref_slice %arg4[%mul3A_2, %dma_wait3A_312] : memref<2048x384xi32, #tpu.memory_space<hbm>> -> memref<64x384xi32, #tpu.memory_space<hbm>>
      %dma_wait3A_314 = arith.constant 0 : i32
      %dma_wait3A_315 = tpu.memref_slice %arg4[%mul3A_2, %dma_wait3A_314] : memref<2048x384xi32, #tpu.memory_space<hbm>> -> memref<64x384xi32, #tpu.memory_space<hbm>>
      tpu.wait_dma2 semaphore(%run_scoped3A : memref<!tpu.dma_semaphore, #tpu.memory_space<semaphore_mem>>) src(%dma_wait3A_315 : memref<64x384xi32, #tpu.memory_space<hbm>>) dst(%arg7 : memref<64x384xi32, #tpu.memory_space<vmem>>)
      tpu.yield
    }) : () -> ()
    %dma_start3A = arith.constant 0 : i32
    %dma_start3A_3 = arith.constant 0 : i32
    %dma_start3A_4 = arith.constant 0 : i32
    %dma_start3A_5 = arith.constant 0 : i32
    %dma_start3A_6 = tpu.memref_slice %arg8[%dma_start3A_4, %dma_start3A_5] : memref<64x768xf32, #tpu.memory_space<vmem>> -> memref<16x768xf32, #tpu.memory_space<vmem>>
    %dma_start3A_7 = arith.constant 0 : i32
    %dma_start3A_8 = tpu.memref_slice %arg6[%dma_start3A, %dma_start3A_3, %dma_start3A_7] : memref<4x1x64xi32, #tpu.memory_space<vmem>> -> memref<1x1x16xi32, #tpu.memory_space<vmem>>
    %dma_start3A_9 = tpu.memref_squeeze %dma_start3A_8 : memref<1x1x16xi32, #tpu.memory_space<vmem>> -> memref<16xi32, #tpu.memory_space<vmem>>
    %dma_start3A_10 = arith.constant 0 : i32
    %dma_start3A_11 = arith.constant 0 : i32
    %dma_start3A_12 = tpu.memref_slice %arg2[%dma_start3A_10, %dma_start3A_11] : memref<100000x768xf32, #tpu.memory_space<hbm>> -> memref<100000x768xf32, #tpu.memory_space<hbm>>
    tpu.enqueue_indirect_dma source(%dma_start3A_12 : memref<100000x768xf32, #tpu.memory_space<hbm>>) target(%dma_start3A_6 : memref<16x768xf32, #tpu.memory_space<vmem>>) offsets(%dma_start3A_9 : memref<16xi32, #tpu.memory_space<vmem>>) semaphore(%arg10 : memref<!tpu.dma_semaphore, #tpu.memory_space<semaphore_mem>>)
    %dma_start3A_13 = arith.constant 0 : i32
    %dma_start3A_14 = arith.constant 0 : i32
    %dma_start3A_15 = arith.constant 16 : i32
    %dma_start3A_16 = arith.constant 0 : i32
    %dma_start3A_17 = tpu.memref_slice %arg8[%dma_start3A_15, %dma_start3A_16] : memref<64x768xf32, #tpu.memory_space<vmem>> -> memref<48x768xf32, #tpu.memory_space<vmem>>
    %dma_start3A_18 = arith.constant 16 : i32
    %dma_start3A_19 = tpu.memref_slice %arg6[%dma_start3A_13, %dma_start3A_14, %dma_start3A_18] : memref<4x1x64xi32, #tpu.memory_space<vmem>> -> memref<1x1x48xi32, #tpu.memory_space<vmem>>
    %dma_start3A_20 = tpu.memref_squeeze %dma_start3A_19 : memref<1x1x48xi32, #tpu.memory_space<vmem>> -> memref<48xi32, #tpu.memory_space<vmem>>
    %dma_start3A_21 = arith.constant 0 : i32
    %dma_start3A_22 = arith.constant 0 : i32
    %dma_start3A_23 = tpu.memref_slice %arg2[%dma_start3A_21, %dma_start3A_22] : memref<100000x768xf32, #tpu.memory_space<hbm>> -> memref<100000x768xf32, #tpu.memory_space<hbm>>
    tpu.enqueue_indirect_dma source(%dma_start3A_23 : memref<100000x768xf32, #tpu.memory_space<hbm>>) target(%dma_start3A_17 : memref<48x768xf32, #tpu.memory_space<vmem>>) offsets(%dma_start3A_20 : memref<48xi32, #tpu.memory_space<vmem>>) semaphore(%arg14 : memref<!tpu.dma_semaphore, #tpu.memory_space<semaphore_mem>>)
    %dma_start3A_24 = arith.constant 1 : i32
    %dma_start3A_25 = arith.constant 0 : i32
    %dma_start3A_26 = arith.constant 0 : i32
    %dma_start3A_27 = tpu.memref_slice %arg6[%dma_start3A_24, %dma_start3A_25, %dma_start3A_26] : memref<4x1x64xi32, #tpu.memory_space<vmem>> -> memref<1x1x64xi32, #tpu.memory_space<vmem>>
    %dma_start3A_28 = tpu.memref_squeeze %dma_start3A_27 : memref<1x1x64xi32, #tpu.memory_space<vmem>> -> memref<64xi32, #tpu.memory_space<vmem>>
    %dma_start3A_29 = arith.constant 0 : i32
    %dma_start3A_30 = arith.constant 0 : i32
    %dma_start3A_31 = tpu.memref_slice %arg2[%dma_start3A_29, %dma_start3A_30] : memref<100000x768xf32, #tpu.memory_space<hbm>> -> memref<100000x768xf32, #tpu.memory_space<hbm>>
    tpu.enqueue_indirect_dma source(%dma_start3A_31 : memref<100000x768xf32, #tpu.memory_space<hbm>>) target(%arg9 : memref<64x768xf32, #tpu.memory_space<vmem>>) offsets(%dma_start3A_28 : memref<64xi32, #tpu.memory_space<vmem>>) semaphore(%arg11 : memref<!tpu.dma_semaphore, #tpu.memory_space<semaphore_mem>>)
    %dma_wait3A = arith.constant 0 : i32
    %dma_wait3A_32 = arith.constant 0 : i32
    %dma_wait3A_33 = arith.constant 0 : i32
    %dma_wait3A_34 = arith.constant 0 : i32
    %dma_wait3A_35 = tpu.memref_slice %arg8[%dma_wait3A_33, %dma_wait3A_34] : memref<64x768xf32, #tpu.memory_space<vmem>> -> memref<16x768xf32, #tpu.memory_space<vmem>>
    %dma_wait3A_36 = arith.constant 0 : i32
    %dma_wait3A_37 = tpu.memref_slice %arg6[%dma_wait3A, %dma_wait3A_32, %dma_wait3A_36] : memref<4x1x64xi32, #tpu.memory_space<vmem>> -> memref<1x1x16xi32, #tpu.memory_space<vmem>>
    %dma_wait3A_38 = tpu.memref_squeeze %dma_wait3A_37 : memref<1x1x16xi32, #tpu.memory_space<vmem>> -> memref<16xi32, #tpu.memory_space<vmem>>
    %dma_wait3A_39 = arith.constant 0 : i32
    %dma_wait3A_40 = arith.constant 0 : i32
    %dma_wait3A_41 = tpu.memref_slice %arg2[%dma_wait3A_39, %dma_wait3A_40] : memref<100000x768xf32, #tpu.memory_space<hbm>> -> memref<100000x768xf32, #tpu.memory_space<hbm>>
    tpu.wait_indirect_dma semaphore(%arg10 : memref<!tpu.dma_semaphore, #tpu.memory_space<semaphore_mem>>) src(%dma_wait3A_41 : memref<100000x768xf32, #tpu.memory_space<hbm>>) dst(%dma_wait3A_35 : memref<16x768xf32, #tpu.memory_space<vmem>>)
    %add3A_42 = arith.constant 0 : i32
    %add3A_43 = arith.addi %add3A_42, %mul3A_2 : i32
    %add3A_44 = arith.constant 0 : i32
    %add3A_45 = arith.addi %add3A_43, %add3A_44 : i32
    %parallel_loop3A = arith.constant 0 : i32
    %parallel_loop3A_46 = arith.constant 16 : i32
    %parallel_loop3A_47 = arith.constant 1 : i32
    %parallel_loop3A_48 = arith.constant -65536 : i32
    scf.for %parallel_loop3A_308 = %parallel_loop3A to %parallel_loop3A_46 step %parallel_loop3A_47  : i32 {
      %parallel_loop3A_309 = arith.constant 0 : i32
      %parallel_loop3A_310 = arith.constant 24 : i32
      %parallel_loop3A_311 = arith.constant 1 : i32
      scf.for %parallel_loop3A_312 = %parallel_loop3A_309 to %parallel_loop3A_310 step %parallel_loop3A_311  : i32 {
        %parallel_loop3A_313 = arith.constant 0 : i32
        %parallel_loop3A_314 = arith.addi %parallel_loop3A_313, %parallel_loop3A_308 : i32
        %parallel_loop3A_315 = arith.constant 16 : i32
        %parallel_loop3A_316 = arith.muli %parallel_loop3A_312, %parallel_loop3A_315 : i32
        %parallel_loop3A_317 = arith.index_cast %parallel_loop3A_314 : i32 to index
        %parallel_loop3A_318 = arith.index_cast %parallel_loop3A_316 : i32 to index
        %parallel_loop3A_319 = tpu.vector_load %arg7[%parallel_loop3A_317, %parallel_loop3A_318] {strides = array<i32>} : memref<64x384xi32, #tpu.memory_space<vmem>>, vector<1x16xi32>,
        %parallel_loop3A_320 = vector.shape_cast %parallel_loop3A_319 : vector<1x16xi32> to vector<16xi32>
        %parallel_loop3A_321 = vector.broadcast %parallel_loop3A_48 : i32 to vector<16xi32>
        %parallel_loop3A_322 = arith.andi %parallel_loop3A_320, %parallel_loop3A_321 : vector<16xi32>
        %parallel_loop3A_323 = tpu.bitcast %parallel_loop3A_322 : vector<16xi32> -> vector<16xf32>
        %parallel_loop3A_324 = arith.constant 16 : i32
        %parallel_loop3A_325 = vector.broadcast %parallel_loop3A_324 : i32 to vector<16xi32>
        %parallel_loop3A_326 = arith.shli %parallel_loop3A_320, %parallel_loop3A_325 : vector<16xi32>
        %parallel_loop3A_327 = tpu.bitcast %parallel_loop3A_326 : vector<16xi32> -> vector<16xf32>
        %parallel_loop3A_328 = arith.constant 32 : i32
        %parallel_loop3A_329 = arith.muli %parallel_loop3A_312, %parallel_loop3A_328 : i32
        %parallel_loop3A_330 = arith.constant 32 : i32
        %parallel_loop3A_331 = arith.muli %parallel_loop3A_312, %parallel_loop3A_330 : i32
        %parallel_loop3A_332 = arith.constant 16 : i32
        %parallel_loop3A_333 = arith.addi %parallel_loop3A_331, %parallel_loop3A_332 : i32
        %parallel_loop3A_334 = arith.index_cast %parallel_loop3A_308 : i32 to index
        %parallel_loop3A_335 = arith.index_cast %parallel_loop3A_329 : i32 to index
        %parallel_loop3A_336 = tpu.vector_load %arg8[%parallel_loop3A_334, %parallel_loop3A_335] {strides = array<i32>} : memref<64x768xf32, #tpu.memory_space<vmem>>, vector<1x16xf32>,
        %parallel_loop3A_337 = vector.shape_cast %parallel_loop3A_336 : vector<1x16xf32> to vector<16xf32>
        %parallel_loop3A_338 = arith.constant 27.7128124 : f32
        %parallel_loop3A_339 = vector.broadcast %parallel_loop3A_338 : f32 to vector<16xf32>
        %parallel_loop3A_340 = arith.mulf %parallel_loop3A_337, %parallel_loop3A_339 : vector<16xf32>
        %parallel_loop3A_341 = arith.addf %parallel_loop3A_340, %parallel_loop3A_323 : vector<16xf32>
        %parallel_loop3A_342 = arith.index_cast %parallel_loop3A_308 : i32 to index
        %parallel_loop3A_343 = arith.index_cast %parallel_loop3A_329 : i32 to index
        %parallel_loop3A_344 = tpu.vector_load %arg8[%parallel_loop3A_342, %parallel_loop3A_343] {strides = array<i32>} : memref<64x768xf32, #tpu.memory_space<vmem>>, vector<1x16xf32>,
        %parallel_loop3A_345 = vector.shape_cast %parallel_loop3A_344 : vector<1x16xf32> to vector<16xf32>
        %parallel_loop3A_346 = vector.shape_cast %parallel_loop3A_341 : vector<16xf32> to vector<1x16xf32>
        tpu.vector_store %arg8[%parallel_loop3A_342, %parallel_loop3A_343], %parallel_loop3A_346 {strides = array<i32>} : memref<64x768xf32, #tpu.memory_space<vmem>>, vector<1x16xf32>,
        %parallel_loop3A_347 = arith.index_cast %parallel_loop3A_308 : i32 to index
        %parallel_loop3A_348 = arith.index_cast %parallel_loop3A_333 : i32 to index
        %parallel_loop3A_349 = tpu.vector_load %arg8[%parallel_loop3A_347, %parallel_loop3A_348] {strides = array<i32>} : memref<64x768xf32, #tpu.memory_space<vmem>>, vector<1x16xf32>,
        %parallel_loop3A_350 = vector.shape_cast %parallel_loop3A_349 : vector<1x16xf32> to vector<16xf32>
        %parallel_loop3A_351 = arith.constant 27.7128124 : f32
        %parallel_loop3A_352 = vector.broadcast %parallel_loop3A_351 : f32 to vector<16xf32>
        %parallel_loop3A_353 = arith.mulf %parallel_loop3A_350, %parallel_loop3A_352 : vector<16xf32>
        %parallel_loop3A_354 = arith.addf %parallel_loop3A_353, %parallel_loop3A_327 : vector<16xf32>
        %parallel_loop3A_355 = arith.index_cast %parallel_loop3A_308 : i32 to index
        %parallel_loop3A_356 = arith.index_cast %parallel_loop3A_333 : i32 to index
        %parallel_loop3A_357 = tpu.vector_load %arg8[%parallel_loop3A_355, %parallel_loop3A_356] {strides = array<i32>} : memref<64x768xf32, #tpu.memory_space<vmem>>, vector<1x16xf32>,
        %parallel_loop3A_358 = vector.shape_cast %parallel_loop3A_357 : vector<1x16xf32> to vector<16xf32>
        %parallel_loop3A_359 = vector.shape_cast %parallel_loop3A_354 : vector<16xf32> to vector<1x16xf32>
        tpu.vector_store %arg8[%parallel_loop3A_355, %parallel_loop3A_356], %parallel_loop3A_359 {strides = array<i32>} : memref<64x768xf32, #tpu.memory_space<vmem>>, vector<1x16xf32>,
      } {sc.loop_unroll_factor = 4 : i64, sc.parallel_access}
    } {sc.loop_unroll_factor = 1 : i64, sc.parallel_access}
    %dma_start3A_49 = arith.constant 0 : i32
    %dma_start3A_50 = arith.constant 0 : i32
    %dma_start3A_51 = tpu.memref_slice %arg8[%dma_start3A_49, %dma_start3A_50] : memref<64x768xf32, #tpu.memory_space<vmem>> -> memref<16x768xf32, #tpu.memory_space<vmem>>
    %dma_start3A_52 = arith.constant 0 : i32
    %dma_start3A_53 = tpu.memref_slice %arg5[%add3A_45, %dma_start3A_52] : memref<8192x768xf32, #tpu.memory_space<hbm>> -> memref<16x768xf32, #tpu.memory_space<hbm>>
    %dma_start3A_54 = arith.constant 0 : i32
    %dma_start3A_55 = tpu.memref_slice %arg5[%add3A_45, %dma_start3A_54] : memref<8192x768xf32, #tpu.memory_space<hbm>> -> memref<16x768xf32, #tpu.memory_space<hbm>>
    %dma_start3A_56 = arith.constant 0 : i32
    %dma_start3A_57 = arith.constant 0 : i32
    %dma_start3A_58 = tpu.memref_slice %arg8[%dma_start3A_56, %dma_start3A_57] : memref<64x768xf32, #tpu.memory_space<vmem>> -> memref<16x768xf32, #tpu.memory_space<vmem>>
    tpu.enqueue_dma source(%dma_start3A_58 : memref<16x768xf32, #tpu.memory_space<vmem>>) target(%dma_start3A_55 : memref<16x768xf32, #tpu.memory_space<hbm>>) target_semaphore(%arg12 : memref<!tpu.dma_semaphore, #tpu.memory_space<semaphore_mem>>)
    %dma_wait3A_59 = arith.constant 0 : i32
    %dma_wait3A_60 = arith.constant 0 : i32
    %dma_wait3A_61 = arith.constant 16 : i32
    %dma_wait3A_62 = arith.constant 0 : i32
    %dma_wait3A_63 = tpu.memref_slice %arg8[%dma_wait3A_61, %dma_wait3A_62] : memref<64x768xf32, #tpu.memory_space<vmem>> -> memref<48x768xf32, #tpu.memory_space<vmem>>
    %dma_wait3A_64 = arith.constant 16 : i32
    %dma_wait3A_65 = tpu.memref_slice %arg6[%dma_wait3A_59, %dma_wait3A_60, %dma_wait3A_64] : memref<4x1x64xi32, #tpu.memory_space<vmem>> -> memref<1x1x48xi32, #tpu.memory_space<vmem>>
    %dma_wait3A_66 = tpu.memref_squeeze %dma_wait3A_65 : memref<1x1x48xi32, #tpu.memory_space<vmem>> -> memref<48xi32, #tpu.memory_space<vmem>>
    %dma_wait3A_67 = arith.constant 0 : i32
    %dma_wait3A_68 = arith.constant 0 : i32
    %dma_wait3A_69 = tpu.memref_slice %arg2[%dma_wait3A_67, %dma_wait3A_68] : memref<100000x768xf32, #tpu.memory_space<hbm>> -> memref<100000x768xf32, #tpu.memory_space<hbm>>
    tpu.wait_indirect_dma semaphore(%arg14 : memref<!tpu.dma_semaphore, #tpu.memory_space<semaphore_mem>>) src(%dma_wait3A_69 : memref<100000x768xf32, #tpu.memory_space<hbm>>) dst(%dma_wait3A_63 : memref<48x768xf32, #tpu.memory_space<vmem>>)
    %parallel_loop3A_70 = arith.constant 16 : i32
    %parallel_loop3A_71 = arith.constant 64 : i32
    %parallel_loop3A_72 = arith.constant 1 : i32
    %parallel_loop3A_73 = arith.constant -65536 : i32
    scf.for %parallel_loop3A_308 = %parallel_loop3A_70 to %parallel_loop3A_71 step %parallel_loop3A_72  : i32 {
      %parallel_loop3A_309 = arith.constant 0 : i32
      %parallel_loop3A_310 = arith.constant 24 : i32
      %parallel_loop3A_311 = arith.constant 1 : i32
      scf.for %parallel_loop3A_312 = %parallel_loop3A_309 to %parallel_loop3A_310 step %parallel_loop3A_311  : i32 {
        %parallel_loop3A_313 = arith.constant 0 : i32
        %parallel_loop3A_314 = arith.addi %parallel_loop3A_313, %parallel_loop3A_308 : i32
        %parallel_loop3A_315 = arith.constant 16 : i32
        %parallel_loop3A_316 = arith.muli %parallel_loop3A_312, %parallel_loop3A_315 : i32
        %parallel_loop3A_317 = arith.index_cast %parallel_loop3A_314 : i32 to index
        %parallel_loop3A_318 = arith.index_cast %parallel_loop3A_316 : i32 to index
        %parallel_loop3A_319 = tpu.vector_load %arg7[%parallel_loop3A_317, %parallel_loop3A_318] {strides = array<i32>} : memref<64x384xi32, #tpu.memory_space<vmem>>, vector<1x16xi32>,
        %parallel_loop3A_320 = vector.shape_cast %parallel_loop3A_319 : vector<1x16xi32> to vector<16xi32>
        %parallel_loop3A_321 = vector.broadcast %parallel_loop3A_73 : i32 to vector<16xi32>
        %parallel_loop3A_322 = arith.andi %parallel_loop3A_320, %parallel_loop3A_321 : vector<16xi32>
        %parallel_loop3A_323 = tpu.bitcast %parallel_loop3A_322 : vector<16xi32> -> vector<16xf32>
        %parallel_loop3A_324 = arith.constant 16 : i32
        %parallel_loop3A_325 = vector.broadcast %parallel_loop3A_324 : i32 to vector<16xi32>
        %parallel_loop3A_326 = arith.shli %parallel_loop3A_320, %parallel_loop3A_325 : vector<16xi32>
        %parallel_loop3A_327 = tpu.bitcast %parallel_loop3A_326 : vector<16xi32> -> vector<16xf32>
        %parallel_loop3A_328 = arith.constant 32 : i32
        %parallel_loop3A_329 = arith.muli %parallel_loop3A_312, %parallel_loop3A_328 : i32
        %parallel_loop3A_330 = arith.constant 32 : i32
        %parallel_loop3A_331 = arith.muli %parallel_loop3A_312, %parallel_loop3A_330 : i32
        %parallel_loop3A_332 = arith.constant 16 : i32
        %parallel_loop3A_333 = arith.addi %parallel_loop3A_331, %parallel_loop3A_332 : i32
        %parallel_loop3A_334 = arith.index_cast %parallel_loop3A_308 : i32 to index
        %parallel_loop3A_335 = arith.index_cast %parallel_loop3A_329 : i32 to index
        %parallel_loop3A_336 = tpu.vector_load %arg8[%parallel_loop3A_334, %parallel_loop3A_335] {strides = array<i32>} : memref<64x768xf32, #tpu.memory_space<vmem>>, vector<1x16xf32>,
        %parallel_loop3A_337 = vector.shape_cast %parallel_loop3A_336 : vector<1x16xf32> to vector<16xf32>
        %parallel_loop3A_338 = arith.constant 27.7128124 : f32
        %parallel_loop3A_339 = vector.broadcast %parallel_loop3A_338 : f32 to vector<16xf32>
        %parallel_loop3A_340 = arith.mulf %parallel_loop3A_337, %parallel_loop3A_339 : vector<16xf32>
        %parallel_loop3A_341 = arith.addf %parallel_loop3A_340, %parallel_loop3A_323 : vector<16xf32>
        %parallel_loop3A_342 = arith.index_cast %parallel_loop3A_308 : i32 to index
        %parallel_loop3A_343 = arith.index_cast %parallel_loop3A_329 : i32 to index
        %parallel_loop3A_344 = tpu.vector_load %arg8[%parallel_loop3A_342, %parallel_loop3A_343] {strides = array<i32>} : memref<64x768xf32, #tpu.memory_space<vmem>>, vector<1x16xf32>,
        %parallel_loop3A_345 = vector.shape_cast %parallel_loop3A_344 : vector<1x16xf32> to vector<16xf32>
        %parallel_loop3A_346 = vector.shape_cast %parallel_loop3A_341 : vector<16xf32> to vector<1x16xf32>
        tpu.vector_store %arg8[%parallel_loop3A_342, %parallel_loop3A_343], %parallel_loop3A_346 {strides = array<i32>} : memref<64x768xf32, #tpu.memory_space<vmem>>, vector<1x16xf32>,
        %parallel_loop3A_347 = arith.index_cast %parallel_loop3A_308 : i32 to index
        %parallel_loop3A_348 = arith.index_cast %parallel_loop3A_333 : i32 to index
        %parallel_loop3A_349 = tpu.vector_load %arg8[%parallel_loop3A_347, %parallel_loop3A_348] {strides = array<i32>} : memref<64x768xf32, #tpu.memory_space<vmem>>, vector<1x16xf32>,
        %parallel_loop3A_350 = vector.shape_cast %parallel_loop3A_349 : vector<1x16xf32> to vector<16xf32>
        %parallel_loop3A_351 = arith.constant 27.7128124 : f32
        %parallel_loop3A_352 = vector.broadcast %parallel_loop3A_351 : f32 to vector<16xf32>
        %parallel_loop3A_353 = arith.mulf %parallel_loop3A_350, %parallel_loop3A_352 : vector<16xf32>
        %parallel_loop3A_354 = arith.addf %parallel_loop3A_353, %parallel_loop3A_327 : vector<16xf32>
        %parallel_loop3A_355 = arith.index_cast %parallel_loop3A_308 : i32 to index
        %parallel_loop3A_356 = arith.index_cast %parallel_loop3A_333 : i32 to index
        %parallel_loop3A_357 = tpu.vector_load %arg8[%parallel_loop3A_355, %parallel_loop3A_356] {strides = array<i32>} : memref<64x768xf32, #tpu.memory_space<vmem>>, vector<1x16xf32>,
        %parallel_loop3A_358 = vector.shape_cast %parallel_loop3A_357 : vector<1x16xf32> to vector<16xf32>
        %parallel_loop3A_359 = vector.shape_cast %parallel_loop3A_354 : vector<16xf32> to vector<1x16xf32>
        tpu.vector_store %arg8[%parallel_loop3A_355, %parallel_loop3A_356], %parallel_loop3A_359 {strides = array<i32>} : memref<64x768xf32, #tpu.memory_space<vmem>>, vector<1x16xf32>,
      } {sc.loop_unroll_factor = 4 : i64, sc.parallel_access}
    } {sc.loop_unroll_factor = 1 : i64, sc.parallel_access}
    %add3A_74 = arith.constant 16 : i32
    %add3A_75 = arith.addi %add3A_45, %add3A_74 : i32
    %dma_start3A_76 = arith.constant 16 : i32
    %dma_start3A_77 = arith.constant 0 : i32
    %dma_start3A_78 = tpu.memref_slice %arg8[%dma_start3A_76, %dma_start3A_77] : memref<64x768xf32, #tpu.memory_space<vmem>> -> memref<48x768xf32, #tpu.memory_space<vmem>>
    %dma_start3A_79 = arith.constant 0 : i32
    %dma_start3A_80 = tpu.memref_slice %arg5[%add3A_75, %dma_start3A_79] : memref<8192x768xf32, #tpu.memory_space<hbm>> -> memref<48x768xf32, #tpu.memory_space<hbm>>
    %dma_start3A_81 = arith.constant 0 : i32
    %dma_start3A_82 = tpu.memref_slice %arg5[%add3A_75, %dma_start3A_81] : memref<8192x768xf32, #tpu.memory_space<hbm>> -> memref<48x768xf32, #tpu.memory_space<hbm>>
    %dma_start3A_83 = arith.constant 16 : i32
    %dma_start3A_84 = arith.constant 0 : i32
    %dma_start3A_85 = tpu.memref_slice %arg8[%dma_start3A_83, %dma_start3A_84] : memref<64x768xf32, #tpu.memory_space<vmem>> -> memref<48x768xf32, #tpu.memory_space<vmem>>
    tpu.enqueue_dma source(%dma_start3A_85 : memref<48x768xf32, #tpu.memory_space<vmem>>) target(%dma_start3A_82 : memref<48x768xf32, #tpu.memory_space<hbm>>) target_semaphore(%arg12 : memref<!tpu.dma_semaphore, #tpu.memory_space<semaphore_mem>>)
    %dma_wait3A_86 = arith.constant 0 : i32
    %dma_wait3A_87 = arith.constant 0 : i32
    %dma_wait3A_88 = tpu.memref_slice %arg8[%dma_wait3A_86, %dma_wait3A_87] : memref<64x768xf32, #tpu.memory_space<vmem>> -> memref<16x768xf32, #tpu.memory_space<vmem>>
    %dma_wait3A_89 = arith.constant 0 : i32
    %dma_wait3A_90 = tpu.memref_slice %arg5[%add3A_45, %dma_wait3A_89] : memref<8192x768xf32, #tpu.memory_space<hbm>> -> memref<16x768xf32, #tpu.memory_space<hbm>>
    %dma_wait3A_91 = arith.constant 0 : i32
    %dma_wait3A_92 = tpu.memref_slice %arg5[%add3A_45, %dma_wait3A_91] : memref<8192x768xf32, #tpu.memory_space<hbm>> -> memref<16x768xf32, #tpu.memory_space<hbm>>
    %dma_wait3A_93 = arith.constant 0 : i32
    %dma_wait3A_94 = arith.constant 0 : i32
    %dma_wait3A_95 = tpu.memref_slice %arg8[%dma_wait3A_93, %dma_wait3A_94] : memref<64x768xf32, #tpu.memory_space<vmem>> -> memref<16x768xf32, #tpu.memory_space<vmem>>
    tpu.wait_dma2 semaphore(%arg12 : memref<!tpu.dma_semaphore, #tpu.memory_space<semaphore_mem>>) src(%dma_wait3A_95 : memref<16x768xf32, #tpu.memory_space<vmem>>) dst(%dma_wait3A_92 : memref<16x768xf32, #tpu.memory_space<hbm>>)
    %dma_wait3A_96 = arith.constant 16 : i32
    %dma_wait3A_97 = arith.constant 0 : i32
    %dma_wait3A_98 = tpu.memref_slice %arg8[%dma_wait3A_96, %dma_wait3A_97] : memref<64x768xf32, #tpu.memory_space<vmem>> -> memref<48x768xf32, #tpu.memory_space<vmem>>
    %dma_wait3A_99 = arith.constant 0 : i32
    %dma_wait3A_100 = tpu.memref_slice %arg5[%add3A_75, %dma_wait3A_99] : memref<8192x768xf32, #tpu.memory_space<hbm>> -> memref<48x768xf32, #tpu.memory_space<hbm>>
    %dma_wait3A_101 = arith.constant 0 : i32
    %dma_wait3A_102 = tpu.memref_slice %arg5[%add3A_75, %dma_wait3A_101] : memref<8192x768xf32, #tpu.memory_space<hbm>> -> memref<48x768xf32, #tpu.memory_space<hbm>>
    %dma_wait3A_103 = arith.constant 16 : i32
    %dma_wait3A_104 = arith.constant 0 : i32
    %dma_wait3A_105 = tpu.memref_slice %arg8[%dma_wait3A_103, %dma_wait3A_104] : memref<64x768xf32, #tpu.memory_space<vmem>> -> memref<48x768xf32, #tpu.memory_space<vmem>>
    tpu.wait_dma2 semaphore(%arg12 : memref<!tpu.dma_semaphore, #tpu.memory_space<semaphore_mem>>) src(%dma_wait3A_105 : memref<48x768xf32, #tpu.memory_space<vmem>>) dst(%dma_wait3A_102 : memref<48x768xf32, #tpu.memory_space<hbm>>)
    %dma_start3A_106 = arith.constant 2 : i32
    %dma_start3A_107 = arith.constant 0 : i32
    %dma_start3A_108 = arith.constant 0 : i32
    %dma_start3A_109 = tpu.memref_slice %arg6[%dma_start3A_106, %dma_start3A_107, %dma_start3A_108] : memref<4x1x64xi32, #tpu.memory_space<vmem>> -> memref<1x1x64xi32, #tpu.memory_space<vmem>>
    %dma_start3A_110 = tpu.memref_squeeze %dma_start3A_109 : memref<1x1x64xi32, #tpu.memory_space<vmem>> -> memref<64xi32, #tpu.memory_space<vmem>>
    %dma_start3A_111 = arith.constant 0 : i32
    %dma_start3A_112 = arith.constant 0 : i32
    %dma_start3A_113 = tpu.memref_slice %arg2[%dma_start3A_111, %dma_start3A_112] : memref<100000x768xf32, #tpu.memory_space<hbm>> -> memref<100000x768xf32, #tpu.memory_space<hbm>>
    tpu.enqueue_indirect_dma source(%dma_start3A_113 : memref<100000x768xf32, #tpu.memory_space<hbm>>) target(%arg8 : memref<64x768xf32, #tpu.memory_space<vmem>>) offsets(%dma_start3A_110 : memref<64xi32, #tpu.memory_space<vmem>>) semaphore(%arg10 : memref<!tpu.dma_semaphore, #tpu.memory_space<semaphore_mem>>)
    %dma_wait3A_114 = arith.constant 1 : i32
    %dma_wait3A_115 = arith.constant 0 : i32
    %dma_wait3A_116 = arith.constant 0 : i32
    %dma_wait3A_117 = tpu.memref_slice %arg6[%dma_wait3A_114, %dma_wait3A_115, %dma_wait3A_116] : memref<4x1x64xi32, #tpu.memory_space<vmem>> -> memref<1x1x64xi32, #tpu.memory_space<vmem>>
    %dma_wait3A_118 = tpu.memref_squeeze %dma_wait3A_117 : memref<1x1x64xi32, #tpu.memory_space<vmem>> -> memref<64xi32, #tpu.memory_space<vmem>>
    %dma_wait3A_119 = arith.constant 0 : i32
    %dma_wait3A_120 = arith.constant 0 : i32
    %dma_wait3A_121 = tpu.memref_slice %arg2[%dma_wait3A_119, %dma_wait3A_120] : memref<100000x768xf32, #tpu.memory_space<hbm>> -> memref<100000x768xf32, #tpu.memory_space<hbm>>
    tpu.wait_indirect_dma semaphore(%arg11 : memref<!tpu.dma_semaphore, #tpu.memory_space<semaphore_mem>>) src(%dma_wait3A_121 : memref<100000x768xf32, #tpu.memory_space<hbm>>) dst(%arg9 : memref<64x768xf32, #tpu.memory_space<vmem>>)
    %add3A_122 = arith.constant 2048 : i32
    %add3A_123 = arith.addi %add3A_122, %mul3A_2 : i32
    %add3A_124 = arith.constant 0 : i32
    %add3A_125 = arith.addi %add3A_123, %add3A_124 : i32
    %parallel_loop3A_126 = arith.constant 0 : i32
    %parallel_loop3A_127 = arith.constant 32 : i32
    %parallel_loop3A_128 = arith.constant 1 : i32
    %parallel_loop3A_129 = arith.constant -65536 : i32
    scf.for %parallel_loop3A_308 = %parallel_loop3A_126 to %parallel_loop3A_127 step %parallel_loop3A_128  : i32 {
      %parallel_loop3A_309 = arith.constant 0 : i32
      %parallel_loop3A_310 = arith.constant 24 : i32
      %parallel_loop3A_311 = arith.constant 1 : i32
      scf.for %parallel_loop3A_312 = %parallel_loop3A_309 to %parallel_loop3A_310 step %parallel_loop3A_311  : i32 {
        %parallel_loop3A_313 = arith.constant 0 : i32
        %parallel_loop3A_314 = arith.addi %parallel_loop3A_313, %parallel_loop3A_308 : i32
        %parallel_loop3A_315 = arith.constant 16 : i32
        %parallel_loop3A_316 = arith.muli %parallel_loop3A_312, %parallel_loop3A_315 : i32
        %parallel_loop3A_317 = arith.index_cast %parallel_loop3A_314 : i32 to index
        %parallel_loop3A_318 = arith.index_cast %parallel_loop3A_316 : i32 to index
        %parallel_loop3A_319 = tpu.vector_load %arg7[%parallel_loop3A_317, %parallel_loop3A_318] {strides = array<i32>} : memref<64x384xi32, #tpu.memory_space<vmem>>, vector<1x16xi32>,
        %parallel_loop3A_320 = vector.shape_cast %parallel_loop3A_319 : vector<1x16xi32> to vector<16xi32>
        %parallel_loop3A_321 = vector.broadcast %parallel_loop3A_129 : i32 to vector<16xi32>
        %parallel_loop3A_322 = arith.andi %parallel_loop3A_320, %parallel_loop3A_321 : vector<16xi32>
        %parallel_loop3A_323 = tpu.bitcast %parallel_loop3A_322 : vector<16xi32> -> vector<16xf32>
        %parallel_loop3A_324 = arith.constant 16 : i32
        %parallel_loop3A_325 = vector.broadcast %parallel_loop3A_324 : i32 to vector<16xi32>
        %parallel_loop3A_326 = arith.shli %parallel_loop3A_320, %parallel_loop3A_325 : vector<16xi32>
        %parallel_loop3A_327 = tpu.bitcast %parallel_loop3A_326 : vector<16xi32> -> vector<16xf32>
        %parallel_loop3A_328 = arith.constant 32 : i32
        %parallel_loop3A_329 = arith.muli %parallel_loop3A_312, %parallel_loop3A_328 : i32
        %parallel_loop3A_330 = arith.constant 32 : i32
        %parallel_loop3A_331 = arith.muli %parallel_loop3A_312, %parallel_loop3A_330 : i32
        %parallel_loop3A_332 = arith.constant 16 : i32
        %parallel_loop3A_333 = arith.addi %parallel_loop3A_331, %parallel_loop3A_332 : i32
        %parallel_loop3A_334 = arith.index_cast %parallel_loop3A_308 : i32 to index
        %parallel_loop3A_335 = arith.index_cast %parallel_loop3A_329 : i32 to index
        %parallel_loop3A_336 = tpu.vector_load %arg9[%parallel_loop3A_334, %parallel_loop3A_335] {strides = array<i32>} : memref<64x768xf32, #tpu.memory_space<vmem>>, vector<1x16xf32>,
        %parallel_loop3A_337 = vector.shape_cast %parallel_loop3A_336 : vector<1x16xf32> to vector<16xf32>
        %parallel_loop3A_338 = arith.constant 27.7128124 : f32
        %parallel_loop3A_339 = vector.broadcast %parallel_loop3A_338 : f32 to vector<16xf32>
        %parallel_loop3A_340 = arith.mulf %parallel_loop3A_337, %parallel_loop3A_339 : vector<16xf32>
        %parallel_loop3A_341 = arith.addf %parallel_loop3A_340, %parallel_loop3A_323 : vector<16xf32>
        %parallel_loop3A_342 = arith.index_cast %parallel_loop3A_308 : i32 to index
        %parallel_loop3A_343 = arith.index_cast %parallel_loop3A_329 : i32 to index
        %parallel_loop3A_344 = tpu.vector_load %arg9[%parallel_loop3A_342, %parallel_loop3A_343] {strides = array<i32>} : memref<64x768xf32, #tpu.memory_space<vmem>>, vector<1x16xf32>,
        %parallel_loop3A_345 = vector.shape_cast %parallel_loop3A_344 : vector<1x16xf32> to vector<16xf32>
        %parallel_loop3A_346 = vector.shape_cast %parallel_loop3A_341 : vector<16xf32> to vector<1x16xf32>
        tpu.vector_store %arg9[%parallel_loop3A_342, %parallel_loop3A_343], %parallel_loop3A_346 {strides = array<i32>} : memref<64x768xf32, #tpu.memory_space<vmem>>, vector<1x16xf32>,
        %parallel_loop3A_347 = arith.index_cast %parallel_loop3A_308 : i32 to index
        %parallel_loop3A_348 = arith.index_cast %parallel_loop3A_333 : i32 to index
        %parallel_loop3A_349 = tpu.vector_load %arg9[%parallel_loop3A_347, %parallel_loop3A_348] {strides = array<i32>} : memref<64x768xf32, #tpu.memory_space<vmem>>, vector<1x16xf32>,
        %parallel_loop3A_350 = vector.shape_cast %parallel_loop3A_349 : vector<1x16xf32> to vector<16xf32>
        %parallel_loop3A_351 = arith.constant 27.7128124 : f32
        %parallel_loop3A_352 = vector.broadcast %parallel_loop3A_351 : f32 to vector<16xf32>
        %parallel_loop3A_353 = arith.mulf %parallel_loop3A_350, %parallel_loop3A_352 : vector<16xf32>
        %parallel_loop3A_354 = arith.addf %parallel_loop3A_353, %parallel_loop3A_327 : vector<16xf32>
        %parallel_loop3A_355 = arith.index_cast %parallel_loop3A_308 : i32 to index
        %parallel_loop3A_356 = arith.index_cast %parallel_loop3A_333 : i32 to index
        %parallel_loop3A_357 = tpu.vector_load %arg9[%parallel_loop3A_355, %parallel_loop3A_356] {strides = array<i32>} : memref<64x768xf32, #tpu.memory_space<vmem>>, vector<1x16xf32>,
        %parallel_loop3A_358 = vector.shape_cast %parallel_loop3A_357 : vector<1x16xf32> to vector<16xf32>
        %parallel_loop3A_359 = vector.shape_cast %parallel_loop3A_354 : vector<16xf32> to vector<1x16xf32>
        tpu.vector_store %arg9[%parallel_loop3A_355, %parallel_loop3A_356], %parallel_loop3A_359 {strides = array<i32>} : memref<64x768xf32, #tpu.memory_space<vmem>>, vector<1x16xf32>,
      } {sc.loop_unroll_factor = 4 : i64, sc.parallel_access}
    } {sc.loop_unroll_factor = 1 : i64, sc.parallel_access}
    %dma_start3A_130 = arith.constant 0 : i32
    %dma_start3A_131 = arith.constant 0 : i32
    %dma_start3A_132 = tpu.memref_slice %arg9[%dma_start3A_130, %dma_start3A_131] : memref<64x768xf32, #tpu.memory_space<vmem>> -> memref<32x768xf32, #tpu.memory_space<vmem>>
    %dma_start3A_133 = arith.constant 0 : i32
    %dma_start3A_134 = tpu.memref_slice %arg5[%add3A_125, %dma_start3A_133] : memref<8192x768xf32, #tpu.memory_space<hbm>> -> memref<32x768xf32, #tpu.memory_space<hbm>>
    %dma_start3A_135 = arith.constant 0 : i32
    %dma_start3A_136 = tpu.memref_slice %arg5[%add3A_125, %dma_start3A_135] : memref<8192x768xf32, #tpu.memory_space<hbm>> -> memref<32x768xf32, #tpu.memory_space<hbm>>
    %dma_start3A_137 = arith.constant 0 : i32
    %dma_start3A_138 = arith.constant 0 : i32
    %dma_start3A_139 = tpu.memref_slice %arg9[%dma_start3A_137, %dma_start3A_138] : memref<64x768xf32, #tpu.memory_space<vmem>> -> memref<32x768xf32, #tpu.memory_space<vmem>>
    tpu.enqueue_dma source(%dma_start3A_139 : memref<32x768xf32, #tpu.memory_space<vmem>>) target(%dma_start3A_136 : memref<32x768xf32, #tpu.memory_space<hbm>>) target_semaphore(%arg13 : memref<!tpu.dma_semaphore, #tpu.memory_space<semaphore_mem>>)
    %parallel_loop3A_140 = arith.constant 32 : i32
    %parallel_loop3A_141 = arith.constant 64 : i32
    %parallel_loop3A_142 = arith.constant 1 : i32
    %parallel_loop3A_143 = arith.constant -65536 : i32
    scf.for %parallel_loop3A_308 = %parallel_loop3A_140 to %parallel_loop3A_141 step %parallel_loop3A_142  : i32 {
      %parallel_loop3A_309 = arith.constant 0 : i32
      %parallel_loop3A_310 = arith.constant 24 : i32
      %parallel_loop3A_311 = arith.constant 1 : i32
      scf.for %parallel_loop3A_312 = %parallel_loop3A_309 to %parallel_loop3A_310 step %parallel_loop3A_311  : i32 {
        %parallel_loop3A_313 = arith.constant 0 : i32
        %parallel_loop3A_314 = arith.addi %parallel_loop3A_313, %parallel_loop3A_308 : i32
        %parallel_loop3A_315 = arith.constant 16 : i32
        %parallel_loop3A_316 = arith.muli %parallel_loop3A_312, %parallel_loop3A_315 : i32
        %parallel_loop3A_317 = arith.index_cast %parallel_loop3A_314 : i32 to index
        %parallel_loop3A_318 = arith.index_cast %parallel_loop3A_316 : i32 to index
        %parallel_loop3A_319 = tpu.vector_load %arg7[%parallel_loop3A_317, %parallel_loop3A_318] {strides = array<i32>} : memref<64x384xi32, #tpu.memory_space<vmem>>, vector<1x16xi32>,
        %parallel_loop3A_320 = vector.shape_cast %parallel_loop3A_319 : vector<1x16xi32> to vector<16xi32>
        %parallel_loop3A_321 = vector.broadcast %parallel_loop3A_143 : i32 to vector<16xi32>
        %parallel_loop3A_322 = arith.andi %parallel_loop3A_320, %parallel_loop3A_321 : vector<16xi32>
        %parallel_loop3A_323 = tpu.bitcast %parallel_loop3A_322 : vector<16xi32> -> vector<16xf32>
        %parallel_loop3A_324 = arith.constant 16 : i32
        %parallel_loop3A_325 = vector.broadcast %parallel_loop3A_324 : i32 to vector<16xi32>
        %parallel_loop3A_326 = arith.shli %parallel_loop3A_320, %parallel_loop3A_325 : vector<16xi32>
        %parallel_loop3A_327 = tpu.bitcast %parallel_loop3A_326 : vector<16xi32> -> vector<16xf32>
        %parallel_loop3A_328 = arith.constant 32 : i32
        %parallel_loop3A_329 = arith.muli %parallel_loop3A_312, %parallel_loop3A_328 : i32
        %parallel_loop3A_330 = arith.constant 32 : i32
        %parallel_loop3A_331 = arith.muli %parallel_loop3A_312, %parallel_loop3A_330 : i32
        %parallel_loop3A_332 = arith.constant 16 : i32
        %parallel_loop3A_333 = arith.addi %parallel_loop3A_331, %parallel_loop3A_332 : i32
        %parallel_loop3A_334 = arith.index_cast %parallel_loop3A_308 : i32 to index
        %parallel_loop3A_335 = arith.index_cast %parallel_loop3A_329 : i32 to index
        %parallel_loop3A_336 = tpu.vector_load %arg9[%parallel_loop3A_334, %parallel_loop3A_335] {strides = array<i32>} : memref<64x768xf32, #tpu.memory_space<vmem>>, vector<1x16xf32>,
        %parallel_loop3A_337 = vector.shape_cast %parallel_loop3A_336 : vector<1x16xf32> to vector<16xf32>
        %parallel_loop3A_338 = arith.constant 27.7128124 : f32
        %parallel_loop3A_339 = vector.broadcast %parallel_loop3A_338 : f32 to vector<16xf32>
        %parallel_loop3A_340 = arith.mulf %parallel_loop3A_337, %parallel_loop3A_339 : vector<16xf32>
        %parallel_loop3A_341 = arith.addf %parallel_loop3A_340, %parallel_loop3A_323 : vector<16xf32>
        %parallel_loop3A_342 = arith.index_cast %parallel_loop3A_308 : i32 to index
        %parallel_loop3A_343 = arith.index_cast %parallel_loop3A_329 : i32 to index
        %parallel_loop3A_344 = tpu.vector_load %arg9[%parallel_loop3A_342, %parallel_loop3A_343] {strides = array<i32>} : memref<64x768xf32, #tpu.memory_space<vmem>>, vector<1x16xf32>,
        %parallel_loop3A_345 = vector.shape_cast %parallel_loop3A_344 : vector<1x16xf32> to vector<16xf32>
        %parallel_loop3A_346 = vector.shape_cast %parallel_loop3A_341 : vector<16xf32> to vector<1x16xf32>
        tpu.vector_store %arg9[%parallel_loop3A_342, %parallel_loop3A_343], %parallel_loop3A_346 {strides = array<i32>} : memref<64x768xf32, #tpu.memory_space<vmem>>, vector<1x16xf32>,
        %parallel_loop3A_347 = arith.index_cast %parallel_loop3A_308 : i32 to index
        %parallel_loop3A_348 = arith.index_cast %parallel_loop3A_333 : i32 to index
        %parallel_loop3A_349 = tpu.vector_load %arg9[%parallel_loop3A_347, %parallel_loop3A_348] {strides = array<i32>} : memref<64x768xf32, #tpu.memory_space<vmem>>, vector<1x16xf32>,
        %parallel_loop3A_350 = vector.shape_cast %parallel_loop3A_349 : vector<1x16xf32> to vector<16xf32>
        %parallel_loop3A_351 = arith.constant 27.7128124 : f32
        %parallel_loop3A_352 = vector.broadcast %parallel_loop3A_351 : f32 to vector<16xf32>
        %parallel_loop3A_353 = arith.mulf %parallel_loop3A_350, %parallel_loop3A_352 : vector<16xf32>
        %parallel_loop3A_354 = arith.addf %parallel_loop3A_353, %parallel_loop3A_327 : vector<16xf32>
        %parallel_loop3A_355 = arith.index_cast %parallel_loop3A_308 : i32 to index
        %parallel_loop3A_356 = arith.index_cast %parallel_loop3A_333 : i32 to index
        %parallel_loop3A_357 = tpu.vector_load %arg9[%parallel_loop3A_355, %parallel_loop3A_356] {strides = array<i32>} : memref<64x768xf32, #tpu.memory_space<vmem>>, vector<1x16xf32>,
        %parallel_loop3A_358 = vector.shape_cast %parallel_loop3A_357 : vector<1x16xf32> to vector<16xf32>
        %parallel_loop3A_359 = vector.shape_cast %parallel_loop3A_354 : vector<16xf32> to vector<1x16xf32>
        tpu.vector_store %arg9[%parallel_loop3A_355, %parallel_loop3A_356], %parallel_loop3A_359 {strides = array<i32>} : memref<64x768xf32, #tpu.memory_space<vmem>>, vector<1x16xf32>,
      } {sc.loop_unroll_factor = 4 : i64, sc.parallel_access}
    } {sc.loop_unroll_factor = 1 : i64, sc.parallel_access}
    %add3A_144 = arith.constant 32 : i32
    %add3A_145 = arith.addi %add3A_125, %add3A_144 : i32
    %dma_start3A_146 = arith.constant 32 : i32
    %dma_start3A_147 = arith.constant 0 : i32
    %dma_start3A_148 = tpu.memref_slice %arg9[%dma_start3A_146, %dma_start3A_147] : memref<64x768xf32, #tpu.memory_space<vmem>> -> memref<32x768xf32, #tpu.memory_space<vmem>>
    %dma_start3A_149 = arith.constant 0 : i32
    %dma_start3A_150 = tpu.memref_slice %arg5[%add3A_145, %dma_start3A_149] : memref<8192x768xf32, #tpu.memory_space<hbm>> -> memref<32x768xf32, #tpu.memory_space<hbm>>
    %dma_start3A_151 = arith.constant 0 : i32
    %dma_start3A_152 = tpu.memref_slice %arg5[%add3A_145, %dma_start3A_151] : memref<8192x768xf32, #tpu.memory_space<hbm>> -> memref<32x768xf32, #tpu.memory_space<hbm>>
    %dma_start3A_153 = arith.constant 32 : i32
    %dma_start3A_154 = arith.constant 0 : i32
    %dma_start3A_155 = tpu.memref_slice %arg9[%dma_start3A_153, %dma_start3A_154] : memref<64x768xf32, #tpu.memory_space<vmem>> -> memref<32x768xf32, #tpu.memory_space<vmem>>
    tpu.enqueue_dma source(%dma_start3A_155 : memref<32x768xf32, #tpu.memory_space<vmem>>) target(%dma_start3A_152 : memref<32x768xf32, #tpu.memory_space<hbm>>) target_semaphore(%arg13 : memref<!tpu.dma_semaphore, #tpu.memory_space<semaphore_mem>>)
    %dma_wait3A_156 = arith.constant 0 : i32
    %dma_wait3A_157 = arith.constant 0 : i32
    %dma_wait3A_158 = tpu.memref_slice %arg9[%dma_wait3A_156, %dma_wait3A_157] : memref<64x768xf32, #tpu.memory_space<vmem>> -> memref<32x768xf32, #tpu.memory_space<vmem>>
    %dma_wait3A_159 = arith.constant 0 : i32
    %dma_wait3A_160 = tpu.memref_slice %arg5[%add3A_125, %dma_wait3A_159] : memref<8192x768xf32, #tpu.memory_space<hbm>> -> memref<32x768xf32, #tpu.memory_space<hbm>>
    %dma_wait3A_161 = arith.constant 0 : i32
    %dma_wait3A_162 = tpu.memref_slice %arg5[%add3A_125, %dma_wait3A_161] : memref<8192x768xf32, #tpu.memory_space<hbm>> -> memref<32x768xf32, #tpu.memory_space<hbm>>
    %dma_wait3A_163 = arith.constant 0 : i32
    %dma_wait3A_164 = arith.constant 0 : i32
    %dma_wait3A_165 = tpu.memref_slice %arg9[%dma_wait3A_163, %dma_wait3A_164] : memref<64x768xf32, #tpu.memory_space<vmem>> -> memref<32x768xf32, #tpu.memory_space<vmem>>
    tpu.wait_dma2 semaphore(%arg13 : memref<!tpu.dma_semaphore, #tpu.memory_space<semaphore_mem>>) src(%dma_wait3A_165 : memref<32x768xf32, #tpu.memory_space<vmem>>) dst(%dma_wait3A_162 : memref<32x768xf32, #tpu.memory_space<hbm>>)
    %dma_wait3A_166 = arith.constant 32 : i32
    %dma_wait3A_167 = arith.constant 0 : i32
    %dma_wait3A_168 = tpu.memref_slice %arg9[%dma_wait3A_166, %dma_wait3A_167] : memref<64x768xf32, #tpu.memory_space<vmem>> -> memref<32x768xf32, #tpu.memory_space<vmem>>
    %dma_wait3A_169 = arith.constant 0 : i32
    %dma_wait3A_170 = tpu.memref_slice %arg5[%add3A_145, %dma_wait3A_169] : memref<8192x768xf32, #tpu.memory_space<hbm>> -> memref<32x768xf32, #tpu.memory_space<hbm>>
    %dma_wait3A_171 = arith.constant 0 : i32
    %dma_wait3A_172 = tpu.memref_slice %arg5[%add3A_145, %dma_wait3A_171] : memref<8192x768xf32, #tpu.memory_space<hbm>> -> memref<32x768xf32, #tpu.memory_space<hbm>>
    %dma_wait3A_173 = arith.constant 32 : i32
    %dma_wait3A_174 = arith.constant 0 : i32
    %dma_wait3A_175 = tpu.memref_slice %arg9[%dma_wait3A_173, %dma_wait3A_174] : memref<64x768xf32, #tpu.memory_space<vmem>> -> memref<32x768xf32, #tpu.memory_space<vmem>>
    tpu.wait_dma2 semaphore(%arg13 : memref<!tpu.dma_semaphore, #tpu.memory_space<semaphore_mem>>) src(%dma_wait3A_175 : memref<32x768xf32, #tpu.memory_space<vmem>>) dst(%dma_wait3A_172 : memref<32x768xf32, #tpu.memory_space<hbm>>)
    %dma_start3A_176 = arith.constant 3 : i32
    %dma_start3A_177 = arith.constant 0 : i32
    %dma_start3A_178 = arith.constant 0 : i32
    %dma_start3A_179 = tpu.memref_slice %arg6[%dma_start3A_176, %dma_start3A_177, %dma_start3A_178] : memref<4x1x64xi32, #tpu.memory_space<vmem>> -> memref<1x1x64xi32, #tpu.memory_space<vmem>>
    %dma_start3A_180 = tpu.memref_squeeze %dma_start3A_179 : memref<1x1x64xi32, #tpu.memory_space<vmem>> -> memref<64xi32, #tpu.memory_space<vmem>>
    %dma_start3A_181 = arith.constant 0 : i32
    %dma_start3A_182 = arith.constant 0 : i32
    %dma_start3A_183 = tpu.memref_slice %arg2[%dma_start3A_181, %dma_start3A_182] : memref<100000x768xf32, #tpu.memory_space<hbm>> -> memref<100000x768xf32, #tpu.memory_space<hbm>>
    tpu.enqueue_indirect_dma source(%dma_start3A_183 : memref<100000x768xf32, #tpu.memory_space<hbm>>) target(%arg9 : memref<64x768xf32, #tpu.memory_space<vmem>>) offsets(%dma_start3A_180 : memref<64xi32, #tpu.memory_space<vmem>>) semaphore(%arg11 : memref<!tpu.dma_semaphore, #tpu.memory_space<semaphore_mem>>)
    %dma_wait3A_184 = arith.constant 2 : i32
    %dma_wait3A_185 = arith.constant 0 : i32
    %dma_wait3A_186 = arith.constant 0 : i32
    %dma_wait3A_187 = tpu.memref_slice %arg6[%dma_wait3A_184, %dma_wait3A_185, %dma_wait3A_186] : memref<4x1x64xi32, #tpu.memory_space<vmem>> -> memref<1x1x64xi32, #tpu.memory_space<vmem>>
    %dma_wait3A_188 = tpu.memref_squeeze %dma_wait3A_187 : memref<1x1x64xi32, #tpu.memory_space<vmem>> -> memref<64xi32, #tpu.memory_space<vmem>>
    %dma_wait3A_189 = arith.constant 0 : i32
    %dma_wait3A_190 = arith.constant 0 : i32
    %dma_wait3A_191 = tpu.memref_slice %arg2[%dma_wait3A_189, %dma_wait3A_190] : memref<100000x768xf32, #tpu.memory_space<hbm>> -> memref<100000x768xf32, #tpu.memory_space<hbm>>
    tpu.wait_indirect_dma semaphore(%arg10 : memref<!tpu.dma_semaphore, #tpu.memory_space<semaphore_mem>>) src(%dma_wait3A_191 : memref<100000x768xf32, #tpu.memory_space<hbm>>) dst(%arg8 : memref<64x768xf32, #tpu.memory_space<vmem>>)
    %add3A_192 = arith.constant 4096 : i32
    %add3A_193 = arith.addi %add3A_192, %mul3A_2 : i32
    %add3A_194 = arith.constant 0 : i32
    %add3A_195 = arith.addi %add3A_193, %add3A_194 : i32
    %parallel_loop3A_196 = arith.constant 0 : i32
    %parallel_loop3A_197 = arith.constant 32 : i32
    %parallel_loop3A_198 = arith.constant 1 : i32
    %parallel_loop3A_199 = arith.constant -65536 : i32
    scf.for %parallel_loop3A_308 = %parallel_loop3A_196 to %parallel_loop3A_197 step %parallel_loop3A_198  : i32 {
      %parallel_loop3A_309 = arith.constant 0 : i32
      %parallel_loop3A_310 = arith.constant 24 : i32
      %parallel_loop3A_311 = arith.constant 1 : i32
      scf.for %parallel_loop3A_312 = %parallel_loop3A_309 to %parallel_loop3A_310 step %parallel_loop3A_311  : i32 {
        %parallel_loop3A_313 = arith.constant 0 : i32
        %parallel_loop3A_314 = arith.addi %parallel_loop3A_313, %parallel_loop3A_308 : i32
        %parallel_loop3A_315 = arith.constant 16 : i32
        %parallel_loop3A_316 = arith.muli %parallel_loop3A_312, %parallel_loop3A_315 : i32
        %parallel_loop3A_317 = arith.index_cast %parallel_loop3A_314 : i32 to index
        %parallel_loop3A_318 = arith.index_cast %parallel_loop3A_316 : i32 to index
        %parallel_loop3A_319 = tpu.vector_load %arg7[%parallel_loop3A_317, %parallel_loop3A_318] {strides = array<i32>} : memref<64x384xi32, #tpu.memory_space<vmem>>, vector<1x16xi32>,
        %parallel_loop3A_320 = vector.shape_cast %parallel_loop3A_319 : vector<1x16xi32> to vector<16xi32>
        %parallel_loop3A_321 = vector.broadcast %parallel_loop3A_199 : i32 to vector<16xi32>
        %parallel_loop3A_322 = arith.andi %parallel_loop3A_320, %parallel_loop3A_321 : vector<16xi32>
        %parallel_loop3A_323 = tpu.bitcast %parallel_loop3A_322 : vector<16xi32> -> vector<16xf32>
        %parallel_loop3A_324 = arith.constant 16 : i32
        %parallel_loop3A_325 = vector.broadcast %parallel_loop3A_324 : i32 to vector<16xi32>
        %parallel_loop3A_326 = arith.shli %parallel_loop3A_320, %parallel_loop3A_325 : vector<16xi32>
        %parallel_loop3A_327 = tpu.bitcast %parallel_loop3A_326 : vector<16xi32> -> vector<16xf32>
        %parallel_loop3A_328 = arith.constant 32 : i32
        %parallel_loop3A_329 = arith.muli %parallel_loop3A_312, %parallel_loop3A_328 : i32
        %parallel_loop3A_330 = arith.constant 32 : i32
        %parallel_loop3A_331 = arith.muli %parallel_loop3A_312, %parallel_loop3A_330 : i32
        %parallel_loop3A_332 = arith.constant 16 : i32
        %parallel_loop3A_333 = arith.addi %parallel_loop3A_331, %parallel_loop3A_332 : i32
        %parallel_loop3A_334 = arith.index_cast %parallel_loop3A_308 : i32 to index
        %parallel_loop3A_335 = arith.index_cast %parallel_loop3A_329 : i32 to index
        %parallel_loop3A_336 = tpu.vector_load %arg8[%parallel_loop3A_334, %parallel_loop3A_335] {strides = array<i32>} : memref<64x768xf32, #tpu.memory_space<vmem>>, vector<1x16xf32>,
        %parallel_loop3A_337 = vector.shape_cast %parallel_loop3A_336 : vector<1x16xf32> to vector<16xf32>
        %parallel_loop3A_338 = arith.constant 27.7128124 : f32
        %parallel_loop3A_339 = vector.broadcast %parallel_loop3A_338 : f32 to vector<16xf32>
        %parallel_loop3A_340 = arith.mulf %parallel_loop3A_337, %parallel_loop3A_339 : vector<16xf32>
        %parallel_loop3A_341 = arith.addf %parallel_loop3A_340, %parallel_loop3A_323 : vector<16xf32>
        %parallel_loop3A_342 = arith.index_cast %parallel_loop3A_308 : i32 to index
        %parallel_loop3A_343 = arith.index_cast %parallel_loop3A_329 : i32 to index
        %parallel_loop3A_344 = tpu.vector_load %arg8[%parallel_loop3A_342, %parallel_loop3A_343] {strides = array<i32>} : memref<64x768xf32, #tpu.memory_space<vmem>>, vector<1x16xf32>,
        %parallel_loop3A_345 = vector.shape_cast %parallel_loop3A_344 : vector<1x16xf32> to vector<16xf32>
        %parallel_loop3A_346 = vector.shape_cast %parallel_loop3A_341 : vector<16xf32> to vector<1x16xf32>
        tpu.vector_store %arg8[%parallel_loop3A_342, %parallel_loop3A_343], %parallel_loop3A_346 {strides = array<i32>} : memref<64x768xf32, #tpu.memory_space<vmem>>, vector<1x16xf32>,
        %parallel_loop3A_347 = arith.index_cast %parallel_loop3A_308 : i32 to index
        %parallel_loop3A_348 = arith.index_cast %parallel_loop3A_333 : i32 to index
        %parallel_loop3A_349 = tpu.vector_load %arg8[%parallel_loop3A_347, %parallel_loop3A_348] {strides = array<i32>} : memref<64x768xf32, #tpu.memory_space<vmem>>, vector<1x16xf32>,
        %parallel_loop3A_350 = vector.shape_cast %parallel_loop3A_349 : vector<1x16xf32> to vector<16xf32>
        %parallel_loop3A_351 = arith.constant 27.7128124 : f32
        %parallel_loop3A_352 = vector.broadcast %parallel_loop3A_351 : f32 to vector<16xf32>
        %parallel_loop3A_353 = arith.mulf %parallel_loop3A_350, %parallel_loop3A_352 : vector<16xf32>
        %parallel_loop3A_354 = arith.addf %parallel_loop3A_353, %parallel_loop3A_327 : vector<16xf32>
        %parallel_loop3A_355 = arith.index_cast %parallel_loop3A_308 : i32 to index
        %parallel_loop3A_356 = arith.index_cast %parallel_loop3A_333 : i32 to index
        %parallel_loop3A_357 = tpu.vector_load %arg8[%parallel_loop3A_355, %parallel_loop3A_356] {strides = array<i32>} : memref<64x768xf32, #tpu.memory_space<vmem>>, vector<1x16xf32>,
        %parallel_loop3A_358 = vector.shape_cast %parallel_loop3A_357 : vector<1x16xf32> to vector<16xf32>
        %parallel_loop3A_359 = vector.shape_cast %parallel_loop3A_354 : vector<16xf32> to vector<1x16xf32>
        tpu.vector_store %arg8[%parallel_loop3A_355, %parallel_loop3A_356], %parallel_loop3A_359 {strides = array<i32>} : memref<64x768xf32, #tpu.memory_space<vmem>>, vector<1x16xf32>,
      } {sc.loop_unroll_factor = 4 : i64, sc.parallel_access}
    } {sc.loop_unroll_factor = 1 : i64, sc.parallel_access}
    %dma_start3A_200 = arith.constant 0 : i32
    %dma_start3A_201 = arith.constant 0 : i32
    %dma_start3A_202 = tpu.memref_slice %arg8[%dma_start3A_200, %dma_start3A_201] : memref<64x768xf32, #tpu.memory_space<vmem>> -> memref<32x768xf32, #tpu.memory_space<vmem>>
    %dma_start3A_203 = arith.constant 0 : i32
    %dma_start3A_204 = tpu.memref_slice %arg5[%add3A_195, %dma_start3A_203] : memref<8192x768xf32, #tpu.memory_space<hbm>> -> memref<32x768xf32, #tpu.memory_space<hbm>>
    %dma_start3A_205 = arith.constant 0 : i32
    %dma_start3A_206 = tpu.memref_slice %arg5[%add3A_195, %dma_start3A_205] : memref<8192x768xf32, #tpu.memory_space<hbm>> -> memref<32x768xf32, #tpu.memory_space<hbm>>
    %dma_start3A_207 = arith.constant 0 : i32
    %dma_start3A_208 = arith.constant 0 : i32
    %dma_start3A_209 = tpu.memref_slice %arg8[%dma_start3A_207, %dma_start3A_208] : memref<64x768xf32, #tpu.memory_space<vmem>> -> memref<32x768xf32, #tpu.memory_space<vmem>>
    tpu.enqueue_dma source(%dma_start3A_209 : memref<32x768xf32, #tpu.memory_space<vmem>>) target(%dma_start3A_206 : memref<32x768xf32, #tpu.memory_space<hbm>>) target_semaphore(%arg12 : memref<!tpu.dma_semaphore, #tpu.memory_space<semaphore_mem>>)
    %parallel_loop3A_210 = arith.constant 32 : i32
    %parallel_loop3A_211 = arith.constant 64 : i32
    %parallel_loop3A_212 = arith.constant 1 : i32
    %parallel_loop3A_213 = arith.constant -65536 : i32
    scf.for %parallel_loop3A_308 = %parallel_loop3A_210 to %parallel_loop3A_211 step %parallel_loop3A_212  : i32 {
      %parallel_loop3A_309 = arith.constant 0 : i32
      %parallel_loop3A_310 = arith.constant 24 : i32
      %parallel_loop3A_311 = arith.constant 1 : i32
      scf.for %parallel_loop3A_312 = %parallel_loop3A_309 to %parallel_loop3A_310 step %parallel_loop3A_311  : i32 {
        %parallel_loop3A_313 = arith.constant 0 : i32
        %parallel_loop3A_314 = arith.addi %parallel_loop3A_313, %parallel_loop3A_308 : i32
        %parallel_loop3A_315 = arith.constant 16 : i32
        %parallel_loop3A_316 = arith.muli %parallel_loop3A_312, %parallel_loop3A_315 : i32
        %parallel_loop3A_317 = arith.index_cast %parallel_loop3A_314 : i32 to index
        %parallel_loop3A_318 = arith.index_cast %parallel_loop3A_316 : i32 to index
        %parallel_loop3A_319 = tpu.vector_load %arg7[%parallel_loop3A_317, %parallel_loop3A_318] {strides = array<i32>} : memref<64x384xi32, #tpu.memory_space<vmem>>, vector<1x16xi32>,
        %parallel_loop3A_320 = vector.shape_cast %parallel_loop3A_319 : vector<1x16xi32> to vector<16xi32>
        %parallel_loop3A_321 = vector.broadcast %parallel_loop3A_213 : i32 to vector<16xi32>
        %parallel_loop3A_322 = arith.andi %parallel_loop3A_320, %parallel_loop3A_321 : vector<16xi32>
        %parallel_loop3A_323 = tpu.bitcast %parallel_loop3A_322 : vector<16xi32> -> vector<16xf32>
        %parallel_loop3A_324 = arith.constant 16 : i32
        %parallel_loop3A_325 = vector.broadcast %parallel_loop3A_324 : i32 to vector<16xi32>
        %parallel_loop3A_326 = arith.shli %parallel_loop3A_320, %parallel_loop3A_325 : vector<16xi32>
        %parallel_loop3A_327 = tpu.bitcast %parallel_loop3A_326 : vector<16xi32> -> vector<16xf32>
        %parallel_loop3A_328 = arith.constant 32 : i32
        %parallel_loop3A_329 = arith.muli %parallel_loop3A_312, %parallel_loop3A_328 : i32
        %parallel_loop3A_330 = arith.constant 32 : i32
        %parallel_loop3A_331 = arith.muli %parallel_loop3A_312, %parallel_loop3A_330 : i32
        %parallel_loop3A_332 = arith.constant 16 : i32
        %parallel_loop3A_333 = arith.addi %parallel_loop3A_331, %parallel_loop3A_332 : i32
        %parallel_loop3A_334 = arith.index_cast %parallel_loop3A_308 : i32 to index
        %parallel_loop3A_335 = arith.index_cast %parallel_loop3A_329 : i32 to index
        %parallel_loop3A_336 = tpu.vector_load %arg8[%parallel_loop3A_334, %parallel_loop3A_335] {strides = array<i32>} : memref<64x768xf32, #tpu.memory_space<vmem>>, vector<1x16xf32>,
        %parallel_loop3A_337 = vector.shape_cast %parallel_loop3A_336 : vector<1x16xf32> to vector<16xf32>
        %parallel_loop3A_338 = arith.constant 27.7128124 : f32
        %parallel_loop3A_339 = vector.broadcast %parallel_loop3A_338 : f32 to vector<16xf32>
        %parallel_loop3A_340 = arith.mulf %parallel_loop3A_337, %parallel_loop3A_339 : vector<16xf32>
        %parallel_loop3A_341 = arith.addf %parallel_loop3A_340, %parallel_loop3A_323 : vector<16xf32>
        %parallel_loop3A_342 = arith.index_cast %parallel_loop3A_308 : i32 to index
        %parallel_loop3A_343 = arith.index_cast %parallel_loop3A_329 : i32 to index
        %parallel_loop3A_344 = tpu.vector_load %arg8[%parallel_loop3A_342, %parallel_loop3A_343] {strides = array<i32>} : memref<64x768xf32, #tpu.memory_space<vmem>>, vector<1x16xf32>,
        %parallel_loop3A_345 = vector.shape_cast %parallel_loop3A_344 : vector<1x16xf32> to vector<16xf32>
        %parallel_loop3A_346 = vector.shape_cast %parallel_loop3A_341 : vector<16xf32> to vector<1x16xf32>
        tpu.vector_store %arg8[%parallel_loop3A_342, %parallel_loop3A_343], %parallel_loop3A_346 {strides = array<i32>} : memref<64x768xf32, #tpu.memory_space<vmem>>, vector<1x16xf32>,
        %parallel_loop3A_347 = arith.index_cast %parallel_loop3A_308 : i32 to index
        %parallel_loop3A_348 = arith.index_cast %parallel_loop3A_333 : i32 to index
        %parallel_loop3A_349 = tpu.vector_load %arg8[%parallel_loop3A_347, %parallel_loop3A_348] {strides = array<i32>} : memref<64x768xf32, #tpu.memory_space<vmem>>, vector<1x16xf32>,
        %parallel_loop3A_350 = vector.shape_cast %parallel_loop3A_349 : vector<1x16xf32> to vector<16xf32>
        %parallel_loop3A_351 = arith.constant 27.7128124 : f32
        %parallel_loop3A_352 = vector.broadcast %parallel_loop3A_351 : f32 to vector<16xf32>
        %parallel_loop3A_353 = arith.mulf %parallel_loop3A_350, %parallel_loop3A_352 : vector<16xf32>
        %parallel_loop3A_354 = arith.addf %parallel_loop3A_353, %parallel_loop3A_327 : vector<16xf32>
        %parallel_loop3A_355 = arith.index_cast %parallel_loop3A_308 : i32 to index
        %parallel_loop3A_356 = arith.index_cast %parallel_loop3A_333 : i32 to index
        %parallel_loop3A_357 = tpu.vector_load %arg8[%parallel_loop3A_355, %parallel_loop3A_356] {strides = array<i32>} : memref<64x768xf32, #tpu.memory_space<vmem>>, vector<1x16xf32>,
        %parallel_loop3A_358 = vector.shape_cast %parallel_loop3A_357 : vector<1x16xf32> to vector<16xf32>
        %parallel_loop3A_359 = vector.shape_cast %parallel_loop3A_354 : vector<16xf32> to vector<1x16xf32>
        tpu.vector_store %arg8[%parallel_loop3A_355, %parallel_loop3A_356], %parallel_loop3A_359 {strides = array<i32>} : memref<64x768xf32, #tpu.memory_space<vmem>>, vector<1x16xf32>,
      } {sc.loop_unroll_factor = 4 : i64, sc.parallel_access}
    } {sc.loop_unroll_factor = 1 : i64, sc.parallel_access}
    %add3A_214 = arith.constant 32 : i32
    %add3A_215 = arith.addi %add3A_195, %add3A_214 : i32
    %dma_start3A_216 = arith.constant 32 : i32
    %dma_start3A_217 = arith.constant 0 : i32
    %dma_start3A_218 = tpu.memref_slice %arg8[%dma_start3A_216, %dma_start3A_217] : memref<64x768xf32, #tpu.memory_space<vmem>> -> memref<32x768xf32, #tpu.memory_space<vmem>>
    %dma_start3A_219 = arith.constant 0 : i32
    %dma_start3A_220 = tpu.memref_slice %arg5[%add3A_215, %dma_start3A_219] : memref<8192x768xf32, #tpu.memory_space<hbm>> -> memref<32x768xf32, #tpu.memory_space<hbm>>
    %dma_start3A_221 = arith.constant 0 : i32
    %dma_start3A_222 = tpu.memref_slice %arg5[%add3A_215, %dma_start3A_221] : memref<8192x768xf32, #tpu.memory_space<hbm>> -> memref<32x768xf32, #tpu.memory_space<hbm>>
    %dma_start3A_223 = arith.constant 32 : i32
    %dma_start3A_224 = arith.constant 0 : i32
    %dma_start3A_225 = tpu.memref_slice %arg8[%dma_start3A_223, %dma_start3A_224] : memref<64x768xf32, #tpu.memory_space<vmem>> -> memref<32x768xf32, #tpu.memory_space<vmem>>
    tpu.enqueue_dma source(%dma_start3A_225 : memref<32x768xf32, #tpu.memory_space<vmem>>) target(%dma_start3A_222 : memref<32x768xf32, #tpu.memory_space<hbm>>) target_semaphore(%arg12 : memref<!tpu.dma_semaphore, #tpu.memory_space<semaphore_mem>>)
    %dma_wait3A_226 = arith.constant 3 : i32
    %dma_wait3A_227 = arith.constant 0 : i32
    %dma_wait3A_228 = arith.constant 0 : i32
    %dma_wait3A_229 = tpu.memref_slice %arg6[%dma_wait3A_226, %dma_wait3A_227, %dma_wait3A_228] : memref<4x1x64xi32, #tpu.memory_space<vmem>> -> memref<1x1x64xi32, #tpu.memory_space<vmem>>
    %dma_wait3A_230 = tpu.memref_squeeze %dma_wait3A_229 : memref<1x1x64xi32, #tpu.memory_space<vmem>> -> memref<64xi32, #tpu.memory_space<vmem>>
    %dma_wait3A_231 = arith.constant 0 : i32
    %dma_wait3A_232 = arith.constant 0 : i32
    %dma_wait3A_233 = tpu.memref_slice %arg2[%dma_wait3A_231, %dma_wait3A_232] : memref<100000x768xf32, #tpu.memory_space<hbm>> -> memref<100000x768xf32, #tpu.memory_space<hbm>>
    tpu.wait_indirect_dma semaphore(%arg11 : memref<!tpu.dma_semaphore, #tpu.memory_space<semaphore_mem>>) src(%dma_wait3A_233 : memref<100000x768xf32, #tpu.memory_space<hbm>>) dst(%arg9 : memref<64x768xf32, #tpu.memory_space<vmem>>)
    %add3A_234 = arith.constant 6144 : i32
    %add3A_235 = arith.addi %add3A_234, %mul3A_2 : i32
    %add3A_236 = arith.constant 0 : i32
    %add3A_237 = arith.addi %add3A_235, %add3A_236 : i32
    %parallel_loop3A_238 = arith.constant 0 : i32
    %parallel_loop3A_239 = arith.constant 32 : i32
    %parallel_loop3A_240 = arith.constant 1 : i32
    %parallel_loop3A_241 = arith.constant -65536 : i32
    scf.for %parallel_loop3A_308 = %parallel_loop3A_238 to %parallel_loop3A_239 step %parallel_loop3A_240  : i32 {
      %parallel_loop3A_309 = arith.constant 0 : i32
      %parallel_loop3A_310 = arith.constant 24 : i32
      %parallel_loop3A_311 = arith.constant 1 : i32
      scf.for %parallel_loop3A_312 = %parallel_loop3A_309 to %parallel_loop3A_310 step %parallel_loop3A_311  : i32 {
        %parallel_loop3A_313 = arith.constant 0 : i32
        %parallel_loop3A_314 = arith.addi %parallel_loop3A_313, %parallel_loop3A_308 : i32
        %parallel_loop3A_315 = arith.constant 16 : i32
        %parallel_loop3A_316 = arith.muli %parallel_loop3A_312, %parallel_loop3A_315 : i32
        %parallel_loop3A_317 = arith.index_cast %parallel_loop3A_314 : i32 to index
        %parallel_loop3A_318 = arith.index_cast %parallel_loop3A_316 : i32 to index
        %parallel_loop3A_319 = tpu.vector_load %arg7[%parallel_loop3A_317, %parallel_loop3A_318] {strides = array<i32>} : memref<64x384xi32, #tpu.memory_space<vmem>>, vector<1x16xi32>,
        %parallel_loop3A_320 = vector.shape_cast %parallel_loop3A_319 : vector<1x16xi32> to vector<16xi32>
        %parallel_loop3A_321 = vector.broadcast %parallel_loop3A_241 : i32 to vector<16xi32>
        %parallel_loop3A_322 = arith.andi %parallel_loop3A_320, %parallel_loop3A_321 : vector<16xi32>
        %parallel_loop3A_323 = tpu.bitcast %parallel_loop3A_322 : vector<16xi32> -> vector<16xf32>
        %parallel_loop3A_324 = arith.constant 16 : i32
        %parallel_loop3A_325 = vector.broadcast %parallel_loop3A_324 : i32 to vector<16xi32>
        %parallel_loop3A_326 = arith.shli %parallel_loop3A_320, %parallel_loop3A_325 : vector<16xi32>
        %parallel_loop3A_327 = tpu.bitcast %parallel_loop3A_326 : vector<16xi32> -> vector<16xf32>
        %parallel_loop3A_328 = arith.constant 32 : i32
        %parallel_loop3A_329 = arith.muli %parallel_loop3A_312, %parallel_loop3A_328 : i32
        %parallel_loop3A_330 = arith.constant 32 : i32
        %parallel_loop3A_331 = arith.muli %parallel_loop3A_312, %parallel_loop3A_330 : i32
        %parallel_loop3A_332 = arith.constant 16 : i32
        %parallel_loop3A_333 = arith.addi %parallel_loop3A_331, %parallel_loop3A_332 : i32
        %parallel_loop3A_334 = arith.index_cast %parallel_loop3A_308 : i32 to index
        %parallel_loop3A_335 = arith.index_cast %parallel_loop3A_329 : i32 to index
        %parallel_loop3A_336 = tpu.vector_load %arg9[%parallel_loop3A_334, %parallel_loop3A_335] {strides = array<i32>} : memref<64x768xf32, #tpu.memory_space<vmem>>, vector<1x16xf32>,
        %parallel_loop3A_337 = vector.shape_cast %parallel_loop3A_336 : vector<1x16xf32> to vector<16xf32>
        %parallel_loop3A_338 = arith.constant 27.7128124 : f32
        %parallel_loop3A_339 = vector.broadcast %parallel_loop3A_338 : f32 to vector<16xf32>
        %parallel_loop3A_340 = arith.mulf %parallel_loop3A_337, %parallel_loop3A_339 : vector<16xf32>
        %parallel_loop3A_341 = arith.addf %parallel_loop3A_340, %parallel_loop3A_323 : vector<16xf32>
        %parallel_loop3A_342 = arith.index_cast %parallel_loop3A_308 : i32 to index
        %parallel_loop3A_343 = arith.index_cast %parallel_loop3A_329 : i32 to index
        %parallel_loop3A_344 = tpu.vector_load %arg9[%parallel_loop3A_342, %parallel_loop3A_343] {strides = array<i32>} : memref<64x768xf32, #tpu.memory_space<vmem>>, vector<1x16xf32>,
        %parallel_loop3A_345 = vector.shape_cast %parallel_loop3A_344 : vector<1x16xf32> to vector<16xf32>
        %parallel_loop3A_346 = vector.shape_cast %parallel_loop3A_341 : vector<16xf32> to vector<1x16xf32>
        tpu.vector_store %arg9[%parallel_loop3A_342, %parallel_loop3A_343], %parallel_loop3A_346 {strides = array<i32>} : memref<64x768xf32, #tpu.memory_space<vmem>>, vector<1x16xf32>,
        %parallel_loop3A_347 = arith.index_cast %parallel_loop3A_308 : i32 to index
        %parallel_loop3A_348 = arith.index_cast %parallel_loop3A_333 : i32 to index
        %parallel_loop3A_349 = tpu.vector_load %arg9[%parallel_loop3A_347, %parallel_loop3A_348] {strides = array<i32>} : memref<64x768xf32, #tpu.memory_space<vmem>>, vector<1x16xf32>,
        %parallel_loop3A_350 = vector.shape_cast %parallel_loop3A_349 : vector<1x16xf32> to vector<16xf32>
        %parallel_loop3A_351 = arith.constant 27.7128124 : f32
        %parallel_loop3A_352 = vector.broadcast %parallel_loop3A_351 : f32 to vector<16xf32>
        %parallel_loop3A_353 = arith.mulf %parallel_loop3A_350, %parallel_loop3A_352 : vector<16xf32>
        %parallel_loop3A_354 = arith.addf %parallel_loop3A_353, %parallel_loop3A_327 : vector<16xf32>
        %parallel_loop3A_355 = arith.index_cast %parallel_loop3A_308 : i32 to index
        %parallel_loop3A_356 = arith.index_cast %parallel_loop3A_333 : i32 to index
        %parallel_loop3A_357 = tpu.vector_load %arg9[%parallel_loop3A_355, %parallel_loop3A_356] {strides = array<i32>} : memref<64x768xf32, #tpu.memory_space<vmem>>, vector<1x16xf32>,
        %parallel_loop3A_358 = vector.shape_cast %parallel_loop3A_357 : vector<1x16xf32> to vector<16xf32>
        %parallel_loop3A_359 = vector.shape_cast %parallel_loop3A_354 : vector<16xf32> to vector<1x16xf32>
        tpu.vector_store %arg9[%parallel_loop3A_355, %parallel_loop3A_356], %parallel_loop3A_359 {strides = array<i32>} : memref<64x768xf32, #tpu.memory_space<vmem>>, vector<1x16xf32>,
      } {sc.loop_unroll_factor = 4 : i64, sc.parallel_access}
    } {sc.loop_unroll_factor = 1 : i64, sc.parallel_access}
    %dma_start3A_242 = arith.constant 0 : i32
    %dma_start3A_243 = arith.constant 0 : i32
    %dma_start3A_244 = tpu.memref_slice %arg9[%dma_start3A_242, %dma_start3A_243] : memref<64x768xf32, #tpu.memory_space<vmem>> -> memref<32x768xf32, #tpu.memory_space<vmem>>
    %dma_start3A_245 = arith.constant 0 : i32
    %dma_start3A_246 = tpu.memref_slice %arg5[%add3A_237, %dma_start3A_245] : memref<8192x768xf32, #tpu.memory_space<hbm>> -> memref<32x768xf32, #tpu.memory_space<hbm>>
    %dma_start3A_247 = arith.constant 0 : i32
    %dma_start3A_248 = tpu.memref_slice %arg5[%add3A_237, %dma_start3A_247] : memref<8192x768xf32, #tpu.memory_space<hbm>> -> memref<32x768xf32, #tpu.memory_space<hbm>>
    %dma_start3A_249 = arith.constant 0 : i32
    %dma_start3A_250 = arith.constant 0 : i32
    %dma_start3A_251 = tpu.memref_slice %arg9[%dma_start3A_249, %dma_start3A_250] : memref<64x768xf32, #tpu.memory_space<vmem>> -> memref<32x768xf32, #tpu.memory_space<vmem>>
    tpu.enqueue_dma source(%dma_start3A_251 : memref<32x768xf32, #tpu.memory_space<vmem>>) target(%dma_start3A_248 : memref<32x768xf32, #tpu.memory_space<hbm>>) target_semaphore(%arg13 : memref<!tpu.dma_semaphore, #tpu.memory_space<semaphore_mem>>)
    %parallel_loop3A_252 = arith.constant 32 : i32
    %parallel_loop3A_253 = arith.constant 64 : i32
    %parallel_loop3A_254 = arith.constant 1 : i32
    %parallel_loop3A_255 = arith.constant -65536 : i32
    scf.for %parallel_loop3A_308 = %parallel_loop3A_252 to %parallel_loop3A_253 step %parallel_loop3A_254  : i32 {
      %parallel_loop3A_309 = arith.constant 0 : i32
      %parallel_loop3A_310 = arith.constant 24 : i32
      %parallel_loop3A_311 = arith.constant 1 : i32
      scf.for %parallel_loop3A_312 = %parallel_loop3A_309 to %parallel_loop3A_310 step %parallel_loop3A_311  : i32 {
        %parallel_loop3A_313 = arith.constant 0 : i32
        %parallel_loop3A_314 = arith.addi %parallel_loop3A_313, %parallel_loop3A_308 : i32
        %parallel_loop3A_315 = arith.constant 16 : i32
        %parallel_loop3A_316 = arith.muli %parallel_loop3A_312, %parallel_loop3A_315 : i32
        %parallel_loop3A_317 = arith.index_cast %parallel_loop3A_314 : i32 to index
        %parallel_loop3A_318 = arith.index_cast %parallel_loop3A_316 : i32 to index
        %parallel_loop3A_319 = tpu.vector_load %arg7[%parallel_loop3A_317, %parallel_loop3A_318] {strides = array<i32>} : memref<64x384xi32, #tpu.memory_space<vmem>>, vector<1x16xi32>,
        %parallel_loop3A_320 = vector.shape_cast %parallel_loop3A_319 : vector<1x16xi32> to vector<16xi32>
        %parallel_loop3A_321 = vector.broadcast %parallel_loop3A_255 : i32 to vector<16xi32>
        %parallel_loop3A_322 = arith.andi %parallel_loop3A_320, %parallel_loop3A_321 : vector<16xi32>
        %parallel_loop3A_323 = tpu.bitcast %parallel_loop3A_322 : vector<16xi32> -> vector<16xf32>
        %parallel_loop3A_324 = arith.constant 16 : i32
        %parallel_loop3A_325 = vector.broadcast %parallel_loop3A_324 : i32 to vector<16xi32>
        %parallel_loop3A_326 = arith.shli %parallel_loop3A_320, %parallel_loop3A_325 : vector<16xi32>
        %parallel_loop3A_327 = tpu.bitcast %parallel_loop3A_326 : vector<16xi32> -> vector<16xf32>
        %parallel_loop3A_328 = arith.constant 32 : i32
        %parallel_loop3A_329 = arith.muli %parallel_loop3A_312, %parallel_loop3A_328 : i32
        %parallel_loop3A_330 = arith.constant 32 : i32
        %parallel_loop3A_331 = arith.muli %parallel_loop3A_312, %parallel_loop3A_330 : i32
        %parallel_loop3A_332 = arith.constant 16 : i32
        %parallel_loop3A_333 = arith.addi %parallel_loop3A_331, %parallel_loop3A_332 : i32
        %parallel_loop3A_334 = arith.index_cast %parallel_loop3A_308 : i32 to index
        %parallel_loop3A_335 = arith.index_cast %parallel_loop3A_329 : i32 to index
        %parallel_loop3A_336 = tpu.vector_load %arg9[%parallel_loop3A_334, %parallel_loop3A_335] {strides = array<i32>} : memref<64x768xf32, #tpu.memory_space<vmem>>, vector<1x16xf32>,
        %parallel_loop3A_337 = vector.shape_cast %parallel_loop3A_336 : vector<1x16xf32> to vector<16xf32>
        %parallel_loop3A_338 = arith.constant 27.7128124 : f32
        %parallel_loop3A_339 = vector.broadcast %parallel_loop3A_338 : f32 to vector<16xf32>
        %parallel_loop3A_340 = arith.mulf %parallel_loop3A_337, %parallel_loop3A_339 : vector<16xf32>
        %parallel_loop3A_341 = arith.addf %parallel_loop3A_340, %parallel_loop3A_323 : vector<16xf32>
        %parallel_loop3A_342 = arith.index_cast %parallel_loop3A_308 : i32 to index
        %parallel_loop3A_343 = arith.index_cast %parallel_loop3A_329 : i32 to index
        %parallel_loop3A_344 = tpu.vector_load %arg9[%parallel_loop3A_342, %parallel_loop3A_343] {strides = array<i32>} : memref<64x768xf32, #tpu.memory_space<vmem>>, vector<1x16xf32>,
        %parallel_loop3A_345 = vector.shape_cast %parallel_loop3A_344 : vector<1x16xf32> to vector<16xf32>
        %parallel_loop3A_346 = vector.shape_cast %parallel_loop3A_341 : vector<16xf32> to vector<1x16xf32>
        tpu.vector_store %arg9[%parallel_loop3A_342, %parallel_loop3A_343], %parallel_loop3A_346 {strides = array<i32>} : memref<64x768xf32, #tpu.memory_space<vmem>>, vector<1x16xf32>,
        %parallel_loop3A_347 = arith.index_cast %parallel_loop3A_308 : i32 to index
        %parallel_loop3A_348 = arith.index_cast %parallel_loop3A_333 : i32 to index
        %parallel_loop3A_349 = tpu.vector_load %arg9[%parallel_loop3A_347, %parallel_loop3A_348] {strides = array<i32>} : memref<64x768xf32, #tpu.memory_space<vmem>>, vector<1x16xf32>,
        %parallel_loop3A_350 = vector.shape_cast %parallel_loop3A_349 : vector<1x16xf32> to vector<16xf32>
        %parallel_loop3A_351 = arith.constant 27.7128124 : f32
        %parallel_loop3A_352 = vector.broadcast %parallel_loop3A_351 : f32 to vector<16xf32>
        %parallel_loop3A_353 = arith.mulf %parallel_loop3A_350, %parallel_loop3A_352 : vector<16xf32>
        %parallel_loop3A_354 = arith.addf %parallel_loop3A_353, %parallel_loop3A_327 : vector<16xf32>
        %parallel_loop3A_355 = arith.index_cast %parallel_loop3A_308 : i32 to index
        %parallel_loop3A_356 = arith.index_cast %parallel_loop3A_333 : i32 to index
        %parallel_loop3A_357 = tpu.vector_load %arg9[%parallel_loop3A_355, %parallel_loop3A_356] {strides = array<i32>} : memref<64x768xf32, #tpu.memory_space<vmem>>, vector<1x16xf32>,
        %parallel_loop3A_358 = vector.shape_cast %parallel_loop3A_357 : vector<1x16xf32> to vector<16xf32>
        %parallel_loop3A_359 = vector.shape_cast %parallel_loop3A_354 : vector<16xf32> to vector<1x16xf32>
        tpu.vector_store %arg9[%parallel_loop3A_355, %parallel_loop3A_356], %parallel_loop3A_359 {strides = array<i32>} : memref<64x768xf32, #tpu.memory_space<vmem>>, vector<1x16xf32>,
      } {sc.loop_unroll_factor = 4 : i64, sc.parallel_access}
    } {sc.loop_unroll_factor = 1 : i64, sc.parallel_access}
    %add3A_256 = arith.constant 32 : i32
    %add3A_257 = arith.addi %add3A_237, %add3A_256 : i32
    %dma_start3A_258 = arith.constant 32 : i32
    %dma_start3A_259 = arith.constant 0 : i32
    %dma_start3A_260 = tpu.memref_slice %arg9[%dma_start3A_258, %dma_start3A_259] : memref<64x768xf32, #tpu.memory_space<vmem>> -> memref<32x768xf32, #tpu.memory_space<vmem>>
    %dma_start3A_261 = arith.constant 0 : i32
    %dma_start3A_262 = tpu.memref_slice %arg5[%add3A_257, %dma_start3A_261] : memref<8192x768xf32, #tpu.memory_space<hbm>> -> memref<32x768xf32, #tpu.memory_space<hbm>>
    %dma_start3A_263 = arith.constant 0 : i32
    %dma_start3A_264 = tpu.memref_slice %arg5[%add3A_257, %dma_start3A_263] : memref<8192x768xf32, #tpu.memory_space<hbm>> -> memref<32x768xf32, #tpu.memory_space<hbm>>
    %dma_start3A_265 = arith.constant 32 : i32
    %dma_start3A_266 = arith.constant 0 : i32
    %dma_start3A_267 = tpu.memref_slice %arg9[%dma_start3A_265, %dma_start3A_266] : memref<64x768xf32, #tpu.memory_space<vmem>> -> memref<32x768xf32, #tpu.memory_space<vmem>>
    tpu.enqueue_dma source(%dma_start3A_267 : memref<32x768xf32, #tpu.memory_space<vmem>>) target(%dma_start3A_264 : memref<32x768xf32, #tpu.memory_space<hbm>>) target_semaphore(%arg13 : memref<!tpu.dma_semaphore, #tpu.memory_space<semaphore_mem>>)
    %dma_wait3A_268 = arith.constant 0 : i32
    %dma_wait3A_269 = arith.constant 0 : i32
    %dma_wait3A_270 = tpu.memref_slice %arg8[%dma_wait3A_268, %dma_wait3A_269] : memref<64x768xf32, #tpu.memory_space<vmem>> -> memref<32x768xf32, #tpu.memory_space<vmem>>
    %dma_wait3A_271 = arith.constant 0 : i32
    %dma_wait3A_272 = tpu.memref_slice %arg5[%add3A_195, %dma_wait3A_271] : memref<8192x768xf32, #tpu.memory_space<hbm>> -> memref<32x768xf32, #tpu.memory_space<hbm>>
    %dma_wait3A_273 = arith.constant 0 : i32
    %dma_wait3A_274 = tpu.memref_slice %arg5[%add3A_195, %dma_wait3A_273] : memref<8192x768xf32, #tpu.memory_space<hbm>> -> memref<32x768xf32, #tpu.memory_space<hbm>>
    %dma_wait3A_275 = arith.constant 0 : i32
    %dma_wait3A_276 = arith.constant 0 : i32
    %dma_wait3A_277 = tpu.memref_slice %arg8[%dma_wait3A_275, %dma_wait3A_276] : memref<64x768xf32, #tpu.memory_space<vmem>> -> memref<32x768xf32, #tpu.memory_space<vmem>>
    tpu.wait_dma2 semaphore(%arg12 : memref<!tpu.dma_semaphore, #tpu.memory_space<semaphore_mem>>) src(%dma_wait3A_277 : memref<32x768xf32, #tpu.memory_space<vmem>>) dst(%dma_wait3A_274 : memref<32x768xf32, #tpu.memory_space<hbm>>)
    %dma_wait3A_278 = arith.constant 32 : i32
    %dma_wait3A_279 = arith.constant 0 : i32
    %dma_wait3A_280 = tpu.memref_slice %arg8[%dma_wait3A_278, %dma_wait3A_279] : memref<64x768xf32, #tpu.memory_space<vmem>> -> memref<32x768xf32, #tpu.memory_space<vmem>>
    %dma_wait3A_281 = arith.constant 0 : i32
    %dma_wait3A_282 = tpu.memref_slice %arg5[%add3A_215, %dma_wait3A_281] : memref<8192x768xf32, #tpu.memory_space<hbm>> -> memref<32x768xf32, #tpu.memory_space<hbm>>
    %dma_wait3A_283 = arith.constant 0 : i32
    %dma_wait3A_284 = tpu.memref_slice %arg5[%add3A_215, %dma_wait3A_283] : memref<8192x768xf32, #tpu.memory_space<hbm>> -> memref<32x768xf32, #tpu.memory_space<hbm>>
    %dma_wait3A_285 = arith.constant 32 : i32
    %dma_wait3A_286 = arith.constant 0 : i32
    %dma_wait3A_287 = tpu.memref_slice %arg8[%dma_wait3A_285, %dma_wait3A_286] : memref<64x768xf32, #tpu.memory_space<vmem>> -> memref<32x768xf32, #tpu.memory_space<vmem>>
    tpu.wait_dma2 semaphore(%arg12 : memref<!tpu.dma_semaphore, #tpu.memory_space<semaphore_mem>>) src(%dma_wait3A_287 : memref<32x768xf32, #tpu.memory_space<vmem>>) dst(%dma_wait3A_284 : memref<32x768xf32, #tpu.memory_space<hbm>>)
    %dma_wait3A_288 = arith.constant 0 : i32
    %dma_wait3A_289 = arith.constant 0 : i32
    %dma_wait3A_290 = tpu.memref_slice %arg9[%dma_wait3A_288, %dma_wait3A_289] : memref<64x768xf32, #tpu.memory_space<vmem>> -> memref<32x768xf32, #tpu.memory_space<vmem>>
    %dma_wait3A_291 = arith.constant 0 : i32
    %dma_wait3A_292 = tpu.memref_slice %arg5[%add3A_237, %dma_wait3A_291] : memref<8192x768xf32, #tpu.memory_space<hbm>> -> memref<32x768xf32, #tpu.memory_space<hbm>>
    %dma_wait3A_293 = arith.constant 0 : i32
    %dma_wait3A_294 = tpu.memref_slice %arg5[%add3A_237, %dma_wait3A_293] : memref<8192x768xf32, #tpu.memory_space<hbm>> -> memref<32x768xf32, #tpu.memory_space<hbm>>
    %dma_wait3A_295 = arith.constant 0 : i32
    %dma_wait3A_296 = arith.constant 0 : i32
    %dma_wait3A_297 = tpu.memref_slice %arg9[%dma_wait3A_295, %dma_wait3A_296] : memref<64x768xf32, #tpu.memory_space<vmem>> -> memref<32x768xf32, #tpu.memory_space<vmem>>
    tpu.wait_dma2 semaphore(%arg13 : memref<!tpu.dma_semaphore, #tpu.memory_space<semaphore_mem>>) src(%dma_wait3A_297 : memref<32x768xf32, #tpu.memory_space<vmem>>) dst(%dma_wait3A_294 : memref<32x768xf32, #tpu.memory_space<hbm>>)
    %dma_wait3A_298 = arith.constant 32 : i32
    %dma_wait3A_299 = arith.constant 0 : i32
    %dma_wait3A_300 = tpu.memref_slice %arg9[%dma_wait3A_298, %dma_wait3A_299] : memref<64x768xf32, #tpu.memory_space<vmem>> -> memref<32x768xf32, #tpu.memory_space<vmem>>
    %dma_wait3A_301 = arith.constant 0 : i32
    %dma_wait3A_302 = tpu.memref_slice %arg5[%add3A_257, %dma_wait3A_301] : memref<8192x768xf32, #tpu.memory_space<hbm>> -> memref<32x768xf32, #tpu.memory_space<hbm>>
    %dma_wait3A_303 = arith.constant 0 : i32
    %dma_wait3A_304 = tpu.memref_slice %arg5[%add3A_257, %dma_wait3A_303] : memref<8192x768xf32, #tpu.memory_space<hbm>> -> memref<32x768xf32, #tpu.memory_space<hbm>>
    %dma_wait3A_305 = arith.constant 32 : i32
    %dma_wait3A_306 = arith.constant 0 : i32
    %dma_wait3A_307 = tpu.memref_slice %arg9[%dma_wait3A_305, %dma_wait3A_306] : memref<64x768xf32, #tpu.memory_space<vmem>> -> memref<32x768xf32, #tpu.memory_space<vmem>>
    tpu.wait_dma2 semaphore(%arg13 : memref<!tpu.dma_semaphore, #tpu.memory_space<semaphore_mem>>) src(%dma_wait3A_307 : memref<32x768xf32, #tpu.memory_space<vmem>>) dst(%dma_wait3A_304 : memref<32x768xf32, #tpu.memory_space<hbm>>)
    return
  }
}

</mosaic_0001>

<sc_bundles>
// kernel: kernel.3.cloned.1.call-start
scs
__scs_entry_jumppad:
0x0: {  	(pc) =	sbr.rel $0x88, $3  }
0x1: {  	(tag) =	ssettag $0x0;
	lr =	simm.s32 $0x1  }
0x2: {  	[smem:$0x3F9F] =	sst lr;
	_ =	strace $0xD0000000  }
0x3: {  	_ = 	snop  }
0x4: {  	_ = 	snop  }
0x5: {  	_ = 	snop  }
0x6: {  	_ = 	snop  }
0x7: {  	_ = 	snop  }
__scs_overlays_trampoline_lowered:
0x8: {  	[smem:$0x3FAE] =	sst s0  }
0x9: {  	[smem:$0x3FAF] =	sst s1  }
0xa: {  	[smem:$0x3FB0] =	sst s2  }
0xb: {  	[smem:$0x3FB1] =	sst s3  }
0xc: {  	[smem:$0x3FB2] =	sst s4  }
0xd: {  	[smem:$0x3FB3] =	sst s5  }
0xe: {  	[smem:$0x3FB4] =	sst s6  }
0xf: {  	[smem:$0x3FB5] =	sst s7  }
0x10: {  	[smem:$0x3FB6] =	sst s8  }
0x11: {  	[smem:$0x3FB7] =	sst s9;
	s0 =	simm.s32 @!p0 $0x0  }
0x12: {  	s1 =	sld [smem:$0x3F9D];
	s0 =	simm.s32 @p0 $0x1  }
0x13: {  	[smem:$0x3FB8] =	sst s0;
	s0 =	simm.s32 @!p1 $0x0  }
0x14: {  	s2 =	sld [smem:$0x3F9C];
	s0 =	simm.s32 @p1 $0x1  }
0x15: {  	[smem:$0x3FB9] =	sst s0;
	s0 =	simm.s32 @!p2 $0x0  }
0x16: {  	s3 =	sld [smem:$0x3FDB];
	s0 =	simm.s32 @p2 $0x1  }
0x17: {  	s4 =	simm.s32 $0x1BF5;
	[smem:$0x3FBB] =	sst s0  }
0x18: {  	s0 =	sld [smem:$0x3F9E];
	_ =	swait.ge [sflag:s4], $0x0  }
0x19: {  	s7 =	sld [smem:$0x3F9F]  }
0x1a: {  	s8 =	sadd.s32 $0xFFFFE003, lr  }
0x1b: {  	s9 =	sadd.s32 $0xFFFFFEF7, lr;
	s5 =	simm.s32 $0xFFFFFFFF;
	p2 =	slt.u32 s8, $0xFFFFF086  }
0x1c: {  	p1 =	slt.u32 s9, $0xF7A;
	s5 =	simm.s32 @!p2 $0x0  }
0x1d: {  	s5 =	simm.s32 @p1 $0x1;
	p0 =	seq.s32 s7, s2  }
0x1e: {  	s7 =	smul.u32 @!p0 $0xF7A, s2;
	p2 =	seq.s32 @!p0 s5, $0x0  }
0x1f: {  	s9 =	smul.u32 $0xF7A, s1;
	s8 =	simm.s32 @!p0 $0x1BF5;
	p2 =	por !p2, p0  }
0x20: {  	[sflag:s8] =	ssyncset.s32 @!p0 $0xFFFFF086;
	s6 =	sadd.s32 @!p0 s3, s7;
	s7 =	simm.s32 @!p0 $0x108  }
0x21: {  	s3 =	sadd.s32 s3, s9;
	s6 =	sadd.s32 @!p0 $0x88, s6;
	s7 =	simm.s32 @p2 $0x1082  }
0x22: {  	[simem:s7], [sflag:s8] =	dma.local @!p0 [hbm:s6], $0xF7A  }
0x23: {  	s9 =	sor.u32 $0xD0000000, s2;
	s6 =	simm.s32 $0x108;
	_ =	swait.ge @!p0 [sflag:s8], $0x0  }
0x24: {  	s3 =	sadd.s32 $0x88, s3;
	s6 =	simm.s32 @!p1 $0x1082;
	[sflag:s4] =	ssyncset.s32 $0xFFFFF086  }
0x25: {  	[simem:s6], [sflag:s4] =	dma.local [hbm:s3], $0xF7A  }
0x26: {  	[smem:$0x3F9F] =	sst s1;
	(tag) =	ssettag s2;
	_ =	strace s9  }
0x27: {  	s1 =	sld [smem:$0x3FAF]  }
0x28: {  	s2 =	sld [smem:$0x3FB0]  }
0x29: {  	s4 =	sld [smem:$0x3FB2]  }
0x2a: {  	p0 =	seq.s32 s5, $0x0;
	s5 =	sld [smem:$0x3FB3]  }
0x2b: {  	s6 =	sld [smem:$0x3FB4]  }
0x2c: {  	s7 =	sld [smem:$0x3FB5]  }
0x2d: {  	s3 =	simm.s32 $0x108;
	s8 =	sld [smem:$0x3FB6]  }
0x2e: {  	s3 =	simm.s32 @!p0 $0x1082;
	s9 =	sld [smem:$0x3FB7]  }
0x2f: {  	lr =	sadd.s32 s0, s3;
	s0 =	sld [smem:$0x3FAE]  }
0x30: {  	s3 =	sld [smem:$0x3FB1]  }
0x31: {  	[smem:$0x3FBA] =	sst s10  }
0x32: {  	s10 =	sld [smem:$0x3FB8];
	_ =	sdelay $0x3  }
0x33: {  	p0 =	seq.s32 s10, $0x1;
	s10 =	sld [smem:$0x3FBA];
	_ =	sdelay $0x3  }
0x34: {  	[smem:$0x3FBA] =	sst s10  }
0x35: {  	s10 =	sld [smem:$0x3FB9];
	_ =	sdelay $0x3  }
0x36: {  	p1 =	seq.s32 s10, $0x1;
	s10 =	sld [smem:$0x3FBA];
	_ =	sdelay $0x3  }
0x37: {  	[smem:$0x3FBA] =	sst s10  }
0x38: {  	s10 =	sld [smem:$0x3FBB]  }
0x39: {  	_ = 	snop;
	(pc) =	sbr.ind lr, $3  }
0x3a: {  	_ = 	snop  }
0x3b: {  	_ = 	snop  }
0x3c: {  	p2 =	seq.s32 s10, $0x1;
	s10 =	sld [smem:$0x3FBA]  }
0x3d: {  	_ =	shalt  }
0x3e: {  	_ =	shalt  }
0x3f: {  	_ =	shalt  }
0x40: {  	_ =	shalt  }
0x41: {  	_ =	shalt  }
0x42: {  	_ =	shalt  }
0x43: {  	_ =	shalt  }
0x44: {  	_ =	shalt  }
0x45: {  	_ =	shalt  }
0x46: {  	_ =	shalt  }
0x47: {  	_ =	shalt  }
0x48: {  	_ =	shalt  }
0x49: {  	_ =	shalt  }
0x4a: {  	_ =	shalt  }
0x4b: {  	_ =	shalt  }
0x4c: {  	_ =	shalt  }
0x4d: {  	_ =	shalt  }
0x4e: {  	_ =	shalt  }
0x4f: {  	_ =	shalt  }
0x50: {  	_ =	shalt  }
0x51: {  	_ =	shalt  }
0x52: {  	_ =	shalt  }
0x53: {  	_ =	shalt  }
0x54: {  	_ =	shalt  }
0x55: {  	_ =	shalt  }
0x56: {  	_ =	shalt  }
0x57: {  	_ =	shalt  }
0x58: {  	_ =	shalt  }
0x59: {  	_ =	shalt  }
0x5a: {  	_ =	shalt  }
0x5b: {  	_ =	shalt  }
0x5c: {  	_ =	shalt  }
0x5d: {  	_ =	shalt  }
0x5e: {  	_ =	shalt  }
0x5f: {  	_ =	shalt  }
0x60: {  	_ =	shalt  }
0x61: {  	_ =	shalt  }
0x62: {  	_ =	shalt  }
0x63: {  	_ =	shalt  }
0x64: {  	_ =	shalt  }
0x65: {  	_ =	shalt  }
0x66: {  	_ =	shalt  }
0x67: {  	_ =	shalt  }
0x68: {  	_ =	shalt  }
0x69: {  	_ =	shalt  }
0x6a: {  	_ =	shalt  }
0x6b: {  	_ =	shalt  }
0x6c: {  	_ =	shalt  }
0x6d: {  	_ =	shalt  }
0x6e: {  	_ =	shalt  }
0x6f: {  	_ =	shalt  }
0x70: {  	_ =	shalt  }
0x71: {  	_ =	shalt  }
0x72: {  	_ =	shalt  }
0x73: {  	_ =	shalt  }
0x74: {  	_ =	shalt  }
0x75: {  	_ =	shalt  }
0x76: {  	_ =	shalt  }
0x77: {  	_ =	shalt  }
0x78: {  	_ =	shalt  }
0x79: {  	_ =	shalt  }
0x7a: {  	_ =	shalt  }
0x7b: {  	_ =	shalt  }
0x7c: {  	_ =	shalt  }
0x7d: {  	_ =	shalt  }
0x7e: {  	_ =	shalt  }
0x7f: {  	_ =	shalt  }
0x80: {  	_ =	shalt  }
0x81: {  	_ =	shalt  }
0x82: {  	_ =	shalt  }
0x83: {  	_ =	shalt  }
0x84: {  	_ =	shalt  }
0x85: {  	_ =	shalt  }
0x86: {  	_ =	shalt  }
0x87: {  	_ =	shalt  }
.Lfunc_end0:
.L_simem_size_0:
called_computation_lowered:
.L_overlay_start_0:
0x88: {  	s2 =	sld [smem:$0x3FD9]  }
0x89: {  	s3 =	sld [smem:$0x3FFE];
	_ =	sdelay $0x1  }
0x8a: {  	s1 =	srdreg.scid  }
0x8b: {  	s0 =	sand.u32 $0x1, s1  }
0x8c: {  	s17 =	sshll.u32 s0, $0xA;
	s2 =	sadd.s32 s3, s2  }
0x8d: {  	s2 =	sadd.s32 s2, s17  }
0x8e: {  	[smem:$0x3FC6] =	sst s2  }
0x8f: {  	_ = 	snop  }
0x90: {  	s2 =	sld [smem:$0x3FC8]  }
0x91: {  	s18 =	sld [smem:$0x3FD0];
	(tm) =	ssettm $0x1  }
0x92: {  	s4 =	sld [smem:$0x3FFB];
	_ =	sdelay $0x3  }
0x93: {  	_ =	strace s4  }
0x94: {  	s4 =	sld [smem:$0x3FFC];
	_ =	sdelay $0x3  }
0x95: {  	_ =	strace s4  }
0x96: {  	s4 =	sld [smem:$0x3FFD];
	_ =	sdelay $0x3  }
0x97: {  	_ =	strace s4  }
0x98: {  	_ =	strace $0x8FFFFFFF  }
0x99: {  	s19 =	sld [smem:$0x3FDB];
	_ =	sdelay $0x1  }
0x9a: {  	s5 =	simm.s32 $_scs_section_size  }
0x9b: {  	s6 =	simm.s32 $_size__tile_overlayer_lowered;
	s7 =	simm.s32 $_tile_overlayer_lowered  }
0x9c: {  	s22 =	simm.s32 $0x1BFF;
	s21 =	sshll.u32 s7, $0x1;
	s4 =	sadd.s32 s5, s19  }
0x9d: {  	s8 =	simm.s32 $0x0;
	s20 =	sshll.u32 s6, $0x1;
	s6 =	sadd.s32 s21, s4  }
0x9e: {  	[timem:s8], [sflag:s22] =	dma.local [hbm:s6], s20  }
0x9f: {  	_ =	swait.ge [sflag:s22], s20  }
0xa0: {  	s5 =	ssub.s32 $0x0, s20;
	[sflag:s22] =	ssyncset.done $0x0  }
0xa1: {  	[sflag:s22] =	ssyncadd.s32 s5;
	_ =	sdelay $0x1  }
0xa2: {  	s23 =	simm.s32 $0x1B8B  }
0xa3: {  	_ =	swait.ge [sflag:s23], $0x1  }
0xa4: {  	[sflag:s23] =	ssyncset.done $0x0  }
0xa5: {  	s25 =	simm.s32 $0x1B8E;
	s24 =	sld [smem:$0x3FFE];
	[sflag:s23] =	ssyncadd.s32 $0xFFFFFFFF  }
0xa6: {  	s26 =	simm.s32 $execute0_lowered;
	[smem:$0x3FD2] =	sst s25  }
0xa7: {  	s6 =	sshll.u32 s26, $0x1;
	_ =	strace $0x80000046;
	[dreg:$0x1] =	wrdreg $0xFFFFFFFF  }
0xa8: {  	s28 =	simm.s32 $_size_execute0_lowered;
	s4 =	sadd.s32 s4, s6;
	[dreg:$0x0] =	wrdreg $0x0  }
0xa9: {  	s6 =	sshll.u32 s28, $0x1;
	[dreg:$0x2] =	wrdreg s4  }
0xaa: {  	[dreg:$0x3] =	wrdreg s6  }
0xab: {  	[dreg:$0x4] =	wrdreg $0xC0  }
0xac: {  	_ =	task [dreg:s8], $0x5FFFF  }
0xad: {  	[dreg:$0x1] =	wrdreg $0xFFFFFFFF  }
0xae: {  	[dreg:$0x0] =	wrdreg $0x60  }
0xaf: {  	[dreg:$0x2] =	wrdreg s2  }
0xb0: {  	[dreg:$0x3] =	wrdreg s24  }
0xb1: {  	[dreg:$0x4] =	wrdreg s18  }
0xb2: {  	[dreg:$0x5] =	wrdreg $0x9  }
0xb3: {  	_ =	task.clear_ibuf [dreg:s8], $0x6FFFF;
	_ =	strace $0x90000046  }
0xb4: {  	s29 =	simm.s32 $0x9;
	_ =	strace $0x80000048  }
0xb5: {  	_ =	swait.ge [sflag:s29], $0x1  }
0xb6: {  	[sflag:s29] =	ssyncadd.s32 $0xFFFFFFFF  }
0xb7: {  	_ =	strace $0x90000048  }
0xb8: {  	_ =	sfence  }
0xb9: {  	s30 =	sld [smem:$0x0];
	_ =	sdelay $0x2  }
0xba: {  	s31 =	sshll.u32 s1, $0xD;
	s1 =	sshrl.u32 s1, $0x2  }
0xbb: {  	s3 =	sand.u32 $0x4000, s31;
	s1 =	sadd.s32 s1, s30  }
0xbc: {  	s0 =	sor.u32 s3, s0;
	s1 =	sshll.u32 s1, $0x11  }
0xbd: {  	s0 =	sor.u32 s1, s0  }
0xbe: {  	s0 =	sadd.s32 $0x8F2B, s0  }
0xbf: {  	[sflag:s0] =	ssyncadd.remote.s32 $0x1  }
0xc0: {  	_ =	sfence.sel $0xFFFF  }
0xc1: {  	[dreg:$0x0] =	wrdreg $0xFFFFFFFF;
	(pc) =	sbr.abs _section_cstart, $3  }
0xc2: {  	[dreg:$0x1] =	wrdreg $0xFFFFFFFF  }
0xc3: {  	_ =	task.clear_ibuf [dreg:s8], $0x2FFFF;
	_ =	strace $0x9FFFFFFF  }
0xc4: {  	(tm) =	ssettm $0x7FFFFFFF  }
0xc5: {  	_ =	shalt  }
tec
execute0_lowered:
.L_overlay_start_1:
0x0: {  	(tag) =	ssettag $0x1  }
0x1: {  	s1 =	rddreg [dreg:$0x0]  }
0x2: {  	s0 =	rddreg [dreg:$0x1]  }
0x3: {  	s2 =	rddreg [dreg:$0x2]  }
0x4: {  	s4 =	srdreg.scid;
	s5 =	stileid.u32  }
0x5: {  	s3 =	simm.s32 $0x0;
	s17 =	simm.s32 $0x6;
	s19 =	simm.s32 $0x6200  }
0x6: {  	s31 =	simm.s32 $0x12200;
	s4 =	sand.u32 $0x1, s4;
	s5 =	sshll.u32 s5, $0x1  }
0x7: {  	s10 =	simm.s32 $0x18200;
	[smem:$0x7FF] =	sst s3;
	s5 =	sor.u32 s4, s5  }
0x8: {  	_ =	strace $0x80000047;
	s4 =	ssub.s32 $0x2, s4;
	s7 =	sshll.u32 s5, $0x6  }
0x9: {  	s6 =	smul.u32 $0xC00, s5;
	s8 =	sshrl.u32 s4, $0x1;
	s7 =	sadd.s32 s7, s0  }
0xa: {  	s5 =	smul.u32 $0x1800, s5;
	s4 =	ssub.s32 s4, s8;
	s21 =	sadd.s32 $0x400, s7  }
0xb: {  	s0 =	sadd.s32 s6, s0;
	s30 =	smax.u32 s4, $0x1;
	[dreg:$0x4] =	wrdreg s21  }
0xc: {  	s6 =	sadd.s32 s2, s5;
	s0 =	sadd.s32 $0xC00, s0;
	[dreg:$0xd] =	wrdreg s30  }
0xd: {  	s18 =	simm.s32 $0x1D200;
	s22 =	sadd.s32 $0x600, s6;
	[dreg:$0x5] =	wrdreg s0  }
0xe: {  	s16 =	simm.s32 $0x1DA00;
	s23 =	sadd.s32 $0x30000, s6;
	[dreg:$0x6] =	wrdreg s22  }
0xf: {  	s20 =	simm.s32 $0x5;
	s24 =	sadd.s32 $0x30C00, s6;
	[dreg:$0x7] =	wrdreg s23  }
0x10: {  	s8 =	sadd.s32 $0x200, s1;
	s25 =	sadd.s32 $0x60000, s6;
	[dreg:$0x8] =	wrdreg s24  }
0x11: {  	s7 =	sadd.s32 $0x100, s1;
	s26 =	sadd.s32 $0x60C00, s6;
	[dreg:$0x9] =	wrdreg s25  }
0x12: {  	s4 =	simm.s32 $0x1;
	s28 =	sadd.s32 $0x90000, s6;
	[dreg:$0xa] =	wrdreg s26  }
0x13: {  	v2 =	vlaneseq.u32;
	s5 =	simm.s32 $0x3;
	s29 =	sadd.s32 $0x90C00, s6;
	[dreg:$0xb] =	wrdreg s28  }
0x14: {  	vm0 =	vmmov $0xffff;
	v1 =	vshrl.u32 v2, $0x3;
	s21 =	simm.s32 $0x2;
	[dreg:$0xc] =	wrdreg s29;
	s25 =	simm.s32 $0x9200  }
0x15: {  	v0 =	vand.u32 $0x7, v2;
	v2 =	vor.u32 $0x8, v2;
	v1 =	vmul.u32 $0x8, v1;
	s0 =	simm.s32 $0xC200;
	s22 =	simm.s32 $0x4;
	s23 =	simm.s32 $0x0  }
.LBB2_1:
0x16: {  	s2 =	rddreg [dreg:$0x4]  }
0x17: {  	[tilespmem:s3], [sflag:$0x6] =	stream.linear.gather [hbm4b:s2+s3], $0x200, $0x38;
	[tilespmem:$0x1E200] =	vst v63  }
0x18: {  	_ =	swait.ge [sflag:s17], $0x200  }
0x19: {  	[sflag:s17] =	ssyncset.done $0x0  }
0x1a: {  	s9 =	simm.s32 $0x200;
	s12 =	rddreg [dreg:$0x5];
	[sflag:s17] =	ssyncadd.s32 $0xFFFFFE00  }
0x1b: {  	[tilespmem:s9], [sflag:$0x6] =	stream.linear.gather [hbm4b:s12+s3], $0x6000, $0x38;
	[tilespmem:$0x1E200] =	vst v63  }
0x1c: {  	_ =	swait.ge [sflag:s17], $0x6000  }
0x1d: {  	[sflag:s17] =	ssyncset.done $0x0  }
0x1e: {  	[sflag:s17] =	ssyncadd.s32 $0xFFFFA000  }
0x1f: {  	v3 =	vld [tilespmem:$0x0];
	_ =	sdelay $0x4  }
0x20: {  	v4 =	vshrl.u32 v3, $0x3  }
0x21: {  	v4 =	vmul.u32 $0x30, v4  }
0x22: {  	v3 =	vand.u32 $0x7, v3  }
0x23: {  	v3 =	vor.u32 v3, v4  }
0x24: {  	v4 =	vperm.xlane v3, v0;
	_ =	sdelay $0x1  }
0x25: {  	v4 =	vadd.s32 v1, v4;
	_ =	sdelay $0x3  }
0x26: {  	v3 =	vperm.xlane v3, v2  }
0x27: {  	[tilespmem:s19], [sflag:$0x1] =	stream.indirect_vreg.gather [hbm4b:s1+s3], $0x80, v4, vm0, $0xb8;
	[tilespmem:$0x1E200] =	vst v63  }
0x28: {  	s13 =	simm.s32 $0x6A00;
	v3 =	vadd.s32 v1, v3  }
0x29: {  	[tilespmem:s13], [sflag:$0x1] =	stream.indirect_vreg.gather [hbm4b:s7+s3], $0x80, v4, vm0, $0xb8;
	[tilespmem:$0x1E200] =	vst v63  }
0x2a: {  	s14 =	simm.s32 $0x7200  }
0x2b: {  	[tilespmem:s14], [sflag:$0x1] =	stream.indirect_vreg.gather [hbm4b:s8+s3], $0x80, v4, vm0, $0xb8;
	[tilespmem:$0x1E200] =	vst v63  }
0x2c: {  	s15 =	simm.s32 $0x7A00  }
0x2d: {  	[tilespmem:s15], [sflag:$0x1] =	stream.indirect_vreg.gather [hbm4b:s1+s3], $0x80, v3, vm0, $0xb8;
	[tilespmem:$0x1E200] =	vst v63  }
0x2e: {  	s24 =	simm.s32 $0x8200  }
0x2f: {  	[tilespmem:s24], [sflag:$0x1] =	stream.indirect_vreg.gather [hbm4b:s7+s3], $0x80, v3, vm0, $0xb8;
	[tilespmem:$0x1E200] =	vst v63  }
0x30: {  	s26 =	simm.s32 $0x8A00  }
0x31: {  	[tilespmem:s26], [sflag:$0x1] =	stream.indirect_vreg.gather [hbm4b:s8+s3], $0x80, v3, vm0, $0xb8;
	[tilespmem:$0x1E200] =	vst v63  }
0x32: {  	v3 =	vld [tilespmem:$0x10];
	_ =	sdelay $0x4  }
0x33: {  	v57 =	vshrl.u32 v3, $0x3  }
0x34: {  	v4 =	vmul.u32 $0x30, v57  }
0x35: {  	v3 =	vand.u32 $0x7, v3  }
0x36: {  	v3 =	vor.u32 v3, v4  }
0x37: {  	v4 =	vperm.xlane v3, v0;
	_ =	sdelay $0x1  }
0x38: {  	v4 =	vadd.s32 v1, v4;
	_ =	sdelay $0x3  }
0x39: {  	v3 =	vperm.xlane v3, v2  }
0x3a: {  	[tilespmem:s25], [sflag:$0x5] =	stream.indirect_vreg.gather [hbm4b:s1+s3], $0x80, v4, vm0, $0xb8;
	[tilespmem:$0x1E200] =	vst v63  }
0x3b: {  	s28 =	simm.s32 $0x9A00;
	v3 =	vadd.s32 v1, v3  }
0x3c: {  	[tilespmem:s28], [sflag:$0x5] =	stream.indirect_vreg.gather [hbm4b:s7+s3], $0x80, v4, vm0, $0xb8;
	[tilespmem:$0x1E200] =	vst v63  }
0x3d: {  	s29 =	simm.s32 $0xA200  }
0x3e: {  	[tilespmem:s29], [sflag:$0x5] =	stream.indirect_vreg.gather [hbm4b:s8+s3], $0x80, v4, vm0, $0xb8;
	[tilespmem:$0x1E200] =	vst v63  }
0x3f: {  	s30 =	simm.s32 $0xAA00  }
0x40: {  	[tilespmem:s30], [sflag:$0x5] =	stream.indirect_vreg.gather [hbm4b:s1+s3], $0x80, v3, vm0, $0xb8;
	[tilespmem:$0x1E200] =	vst v63  }
0x41: {  	s9 =	simm.s32 $0xB200  }
0x42: {  	[tilespmem:s9], [sflag:$0x5] =	stream.indirect_vreg.gather [hbm4b:s7+s3], $0x80, v3, vm0, $0xb8;
	[tilespmem:$0x1E200] =	vst v63  }
0x43: {  	s11 =	simm.s32 $0xBA00  }
0x44: {  	[tilespmem:s11], [sflag:$0x5] =	stream.indirect_vreg.gather [hbm4b:s8+s3], $0x80, v3, vm0, $0xb8;
	[tilespmem:$0x1E200] =	vst v63  }
0x45: {  	v3 =	vld [tilespmem:$0x20];
	_ =	sdelay $0x4  }
0x46: {  	v58 =	vshrl.u32 v3, $0x3  }
0x47: {  	v4 =	vmul.u32 $0x30, v58  }
0x48: {  	v3 =	vand.u32 $0x7, v3  }
0x49: {  	v3 =	vor.u32 v3, v4  }
0x4a: {  	v4 =	vperm.xlane v3, v0;
	_ =	sdelay $0x1  }
0x4b: {  	v4 =	vadd.s32 v1, v4;
	_ =	sdelay $0x3  }
0x4c: {  	v3 =	vperm.xlane v3, v2  }
0x4d: {  	[tilespmem:s0], [sflag:$0x5] =	stream.indirect_vreg.gather [hbm4b:s1+s3], $0x80, v4, vm0, $0xb8;
	[tilespmem:$0x1E200] =	vst v63  }
0x4e: {  	s12 =	simm.s32 $0xCA00;
	v3 =	vadd.s32 v1, v3  }
0x4f: {  	[tilespmem:s12], [sflag:$0x5] =	stream.indirect_vreg.gather [hbm4b:s7+s3], $0x80, v4, vm0, $0xb8;
	[tilespmem:$0x1E200] =	vst v63  }
0x50: {  	s13 =	simm.s32 $0xD200  }
0x51: {  	[tilespmem:s13], [sflag:$0x5] =	stream.indirect_vreg.gather [hbm4b:s8+s3], $0x80, v4, vm0, $0xb8;
	[tilespmem:$0x1E200] =	vst v63  }
0x52: {  	s14 =	simm.s32 $0xDA00  }
0x53: {  	[tilespmem:s14], [sflag:$0x5] =	stream.indirect_vreg.gather [hbm4b:s1+s3], $0x80, v3, vm0, $0xb8;
	[tilespmem:$0x1E200] =	vst v63  }
0x54: {  	s15 =	simm.s32 $0xE200  }
0x55: {  	[tilespmem:s15], [sflag:$0x5] =	stream.indirect_vreg.gather [hbm4b:s7+s3], $0x80, v3, vm0, $0xb8;
	[tilespmem:$0x1E200] =	vst v63  }
0x56: {  	s24 =	simm.s32 $0xEA00  }
0x57: {  	[tilespmem:s24], [sflag:$0x5] =	stream.indirect_vreg.gather [hbm4b:s8+s3], $0x80, v3, vm0, $0xb8;
	[tilespmem:$0x1E200] =	vst v63  }
0x58: {  	v3 =	vld [tilespmem:$0x30];
	_ =	sdelay $0x4  }
0x59: {  	v59 =	vshrl.u32 v3, $0x3  }
0x5a: {  	v4 =	vmul.u32 $0x30, v59  }
0x5b: {  	v3 =	vand.u32 $0x7, v3  }
0x5c: {  	v3 =	vor.u32 v3, v4  }
0x5d: {  	v4 =	vperm.xlane v3, v0;
	_ =	sdelay $0x1  }
0x5e: {  	v4 =	vadd.s32 v1, v4;
	_ =	sdelay $0x3  }
0x5f: {  	s26 =	simm.s32 $0xF200;
	v3 =	vperm.xlane v3, v2  }
0x60: {  	[tilespmem:s26], [sflag:$0x5] =	stream.indirect_vreg.gather [hbm4b:s1+s3], $0x80, v4, vm0, $0xb8;
	[tilespmem:$0x1E200] =	vst v63  }
0x61: {  	s28 =	simm.s32 $0xFA00;
	v3 =	vadd.s32 v1, v3  }
0x62: {  	[tilespmem:s28], [sflag:$0x5] =	stream.indirect_vreg.gather [hbm4b:s7+s3], $0x80, v4, vm0, $0xb8;
	[tilespmem:$0x1E200] =	vst v63  }
0x63: {  	s29 =	simm.s32 $0x10200  }
0x64: {  	[tilespmem:s29], [sflag:$0x5] =	stream.indirect_vreg.gather [hbm4b:s8+s3], $0x80, v4, vm0, $0xb8;
	[tilespmem:$0x1E200] =	vst v63  }
0x65: {  	s30 =	simm.s32 $0x10A00  }
0x66: {  	[tilespmem:s30], [sflag:$0x5] =	stream.indirect_vreg.gather [hbm4b:s1+s3], $0x80, v3, vm0, $0xb8;
	[tilespmem:$0x1E200] =	vst v63  }
0x67: {  	s9 =	simm.s32 $0x11200  }
0x68: {  	[tilespmem:s9], [sflag:$0x5] =	stream.indirect_vreg.gather [hbm4b:s7+s3], $0x80, v3, vm0, $0xb8;
	[tilespmem:$0x1E200] =	vst v63  }
0x69: {  	s11 =	simm.s32 $0x11A00  }
0x6a: {  	[tilespmem:s11], [sflag:$0x5] =	stream.indirect_vreg.gather [hbm4b:s8+s3], $0x80, v3, vm0, $0xb8;
	[tilespmem:$0x1E200] =	vst v63  }
0x6b: {  	v3 =	vld [tilespmem:$0x80];
	_ =	sdelay $0x4  }
0x6c: {  	v60 =	vshrl.u32 v3, $0x3  }
0x6d: {  	v4 =	vmul.u32 $0x30, v60  }
0x6e: {  	v3 =	vand.u32 $0x7, v3  }
0x6f: {  	v3 =	vor.u32 v3, v4  }
0x70: {  	v4 =	vperm.xlane v3, v0;
	_ =	sdelay $0x1  }
0x71: {  	v4 =	vadd.s32 v1, v4;
	_ =	sdelay $0x3  }
0x72: {  	v3 =	vperm.xlane v3, v2  }
0x73: {  	[tilespmem:s31], [sflag:$0x2] =	stream.indirect_vreg.gather [hbm4b:s1+s3], $0x80, v4, vm0, $0xb8;
	[tilespmem:$0x1E200] =	vst v63  }
0x74: {  	s12 =	simm.s32 $0x12A00;
	v3 =	vadd.s32 v1, v3  }
0x75: {  	[tilespmem:s12], [sflag:$0x2] =	stream.indirect_vreg.gather [hbm4b:s7+s3], $0x80, v4, vm0, $0xb8;
	[tilespmem:$0x1E200] =	vst v63  }
0x76: {  	s13 =	simm.s32 $0x13200  }
0x77: {  	[tilespmem:s13], [sflag:$0x2] =	stream.indirect_vreg.gather [hbm4b:s8+s3], $0x80, v4, vm0, $0xb8;
	[tilespmem:$0x1E200] =	vst v63  }
0x78: {  	s14 =	simm.s32 $0x13A00  }
0x79: {  	[tilespmem:s14], [sflag:$0x2] =	stream.indirect_vreg.gather [hbm4b:s1+s3], $0x80, v3, vm0, $0xb8;
	[tilespmem:$0x1E200] =	vst v63  }
0x7a: {  	s15 =	simm.s32 $0x14200  }
0x7b: {  	[tilespmem:s15], [sflag:$0x2] =	stream.indirect_vreg.gather [hbm4b:s7+s3], $0x80, v3, vm0, $0xb8;
	[tilespmem:$0x1E200] =	vst v63  }
0x7c: {  	s24 =	simm.s32 $0x14A00  }
0x7d: {  	[tilespmem:s24], [sflag:$0x2] =	stream.indirect_vreg.gather [hbm4b:s8+s3], $0x80, v3, vm0, $0xb8;
	[tilespmem:$0x1E200] =	vst v63  }
0x7e: {  	v3 =	vld [tilespmem:$0x90];
	_ =	sdelay $0x4  }
0x7f: {  	v61 =	vshrl.u32 v3, $0x3  }
0x80: {  	v4 =	vmul.u32 $0x30, v61  }
0x81: {  	v3 =	vand.u32 $0x7, v3  }
0x82: {  	v3 =	vor.u32 v3, v4  }
0x83: {  	v4 =	vperm.xlane v3, v0;
	_ =	sdelay $0x1  }
0x84: {  	v4 =	vadd.s32 v1, v4;
	_ =	sdelay $0x3  }
0x85: {  	s26 =	simm.s32 $0x15200;
	v3 =	vperm.xlane v3, v2  }
0x86: {  	[tilespmem:s26], [sflag:$0x2] =	stream.indirect_vreg.gather [hbm4b:s1+s3], $0x80, v4, vm0, $0xb8;
	[tilespmem:$0x1E200] =	vst v63  }
0x87: {  	s28 =	simm.s32 $0x15A00;
	v3 =	vadd.s32 v1, v3  }
0x88: {  	[tilespmem:s28], [sflag:$0x2] =	stream.indirect_vreg.gather [hbm4b:s7+s3], $0x80, v4, vm0, $0xb8;
	[tilespmem:$0x1E200] =	vst v63  }
0x89: {  	s29 =	simm.s32 $0x16200  }
0x8a: {  	[tilespmem:s29], [sflag:$0x2] =	stream.indirect_vreg.gather [hbm4b:s8+s3], $0x80, v4, vm0, $0xb8;
	[tilespmem:$0x1E200] =	vst v63  }
0x8b: {  	s30 =	simm.s32 $0x16A00  }
0x8c: {  	[tilespmem:s30], [sflag:$0x2] =	stream.indirect_vreg.gather [hbm4b:s1+s3], $0x80, v3, vm0, $0xb8;
	[tilespmem:$0x1E200] =	vst v63  }
0x8d: {  	s9 =	simm.s32 $0x17200  }
0x8e: {  	[tilespmem:s9], [sflag:$0x2] =	stream.indirect_vreg.gather [hbm4b:s7+s3], $0x80, v3, vm0, $0xb8;
	[tilespmem:$0x1E200] =	vst v63  }
0x8f: {  	s11 =	simm.s32 $0x17A00  }
0x90: {  	[tilespmem:s11], [sflag:$0x2] =	stream.indirect_vreg.gather [hbm4b:s8+s3], $0x80, v3, vm0, $0xb8;
	[tilespmem:$0x1E200] =	vst v63  }
0x91: {  	v3 =	vld [tilespmem:$0xA0];
	_ =	sdelay $0x4  }
0x92: {  	v62 =	vshrl.u32 v3, $0x3  }
0x93: {  	v4 =	vmul.u32 $0x30, v62  }
0x94: {  	v3 =	vand.u32 $0x7, v3  }
0x95: {  	v3 =	vor.u32 v3, v4  }
0x96: {  	v4 =	vperm.xlane v3, v0;
	_ =	sdelay $0x1  }
0x97: {  	v4 =	vadd.s32 v1, v4;
	_ =	sdelay $0x3  }
0x98: {  	v3 =	vperm.xlane v3, v2  }
0x99: {  	[tilespmem:s10], [sflag:$0x2] =	stream.indirect_vreg.gather [hbm4b:s1+s3], $0x80, v4, vm0, $0xb8;
	[tilespmem:$0x1E200] =	vst v63  }
0x9a: {  	s12 =	simm.s32 $0x18A00;
	v3 =	vadd.s32 v1, v3  }
0x9b: {  	[tilespmem:s12], [sflag:$0x2] =	stream.indirect_vreg.gather [hbm4b:s7+s3], $0x80, v4, vm0, $0xb8;
	[tilespmem:$0x1E200] =	vst v63  }
0x9c: {  	s13 =	simm.s32 $0x19200  }
0x9d: {  	[tilespmem:s13], [sflag:$0x2] =	stream.indirect_vreg.gather [hbm4b:s8+s3], $0x80, v4, vm0, $0xb8;
	[tilespmem:$0x1E200] =	vst v63  }
0x9e: {  	s14 =	simm.s32 $0x19A00  }
0x9f: {  	[tilespmem:s14], [sflag:$0x2] =	stream.indirect_vreg.gather [hbm4b:s1+s3], $0x80, v3, vm0, $0xb8;
	[tilespmem:$0x1E200] =	vst v63  }
0xa0: {  	s15 =	simm.s32 $0x1A200  }
0xa1: {  	[tilespmem:s15], [sflag:$0x2] =	stream.indirect_vreg.gather [hbm4b:s7+s3], $0x80, v3, vm0, $0xb8;
	[tilespmem:$0x1E200] =	vst v63  }
0xa2: {  	s24 =	simm.s32 $0x1AA00  }
0xa3: {  	[tilespmem:s24], [sflag:$0x2] =	stream.indirect_vreg.gather [hbm4b:s8+s3], $0x80, v3, vm0, $0xb8;
	[tilespmem:$0x1E200] =	vst v63  }
0xa4: {  	v3 =	vld [tilespmem:$0xB0];
	_ =	sdelay $0x4  }
0xa5: {  	v63 =	vshrl.u32 v3, $0x3  }
0xa6: {  	v4 =	vmul.u32 $0x30, v63  }
0xa7: {  	v3 =	vand.u32 $0x7, v3  }
0xa8: {  	v3 =	vor.u32 v3, v4  }
0xa9: {  	v4 =	vperm.xlane v3, v0;
	_ =	sdelay $0x1  }
0xaa: {  	v4 =	vadd.s32 v1, v4;
	_ =	sdelay $0x3  }
0xab: {  	s26 =	simm.s32 $0x1B200;
	v3 =	vperm.xlane v3, v2  }
0xac: {  	[tilespmem:s26], [sflag:$0x2] =	stream.indirect_vreg.gather [hbm4b:s1+s3], $0x80, v4, vm0, $0xb8;
	[tilespmem:$0x1E200] =	vst v63  }
0xad: {  	s28 =	simm.s32 $0x1BA00;
	v3 =	vadd.s32 v1, v3  }
0xae: {  	[tilespmem:s28], [sflag:$0x2] =	stream.indirect_vreg.gather [hbm4b:s7+s3], $0x80, v4, vm0, $0xb8;
	[tilespmem:$0x1E200] =	vst v63  }
0xaf: {  	s29 =	simm.s32 $0x1C200  }
0xb0: {  	[tilespmem:s29], [sflag:$0x2] =	stream.indirect_vreg.gather [hbm4b:s8+s3], $0x80, v4, vm0, $0xb8;
	[tilespmem:$0x1E200] =	vst v63  }
0xb1: {  	s30 =	simm.s32 $0x1CA00  }
0xb2: {  	[tilespmem:s30], [sflag:$0x2] =	stream.indirect_vreg.gather [hbm4b:s1+s3], $0x80, v3, vm0, $0xb8;
	[tilespmem:$0x1E200] =	vst v63  }
0xb3: {  	_ = 	snop  }
0xb4: {  	[tilespmem:s18], [sflag:$0x2] =	stream.indirect_vreg.gather [hbm4b:s7+s3], $0x80, v3, vm0, $0xb8;
	[tilespmem:$0x1E200] =	vst v63  }
0xb5: {  	_ = 	snop  }
0xb6: {  	[tilespmem:s16], [sflag:$0x2] =	stream.indirect_vreg.gather [hbm4b:s8+s3], $0x80, v3, vm0, $0xb8;
	[tilespmem:$0x1E200] =	vst v63  }
0xb7: {  	_ =	swait.ge [sflag:s4], $0x3000  }
0xb8: {  	[sflag:s4] =	ssyncset.done $0x0  }
0xb9: {  	s9 =	simm.s32 $0x0;
	s24 =	simm.s32 $0x0;
	[sflag:s4] =	ssyncadd.s32 $0xFFFFD000  }
.LBB2_2:
0xba: {  	s2 =	sshrl.u32 s9, $0x3  }
0xbb: {  	s12 =	sand.u32 $0x7, s24;
	s11 =	smul.u32 $0x6000, s2  }
0xbc: {  	s12 =	sshll.u32 s12, $0x9  }
0xbd: {  	s11 =	sor.u32 s12, s11  }
0xbe: {  	s11 =	sshra.s32 s11, $0x2  }
0xbf: {  	s28 =	sadd.s32 $0x6240, s11  }
0xc0: {  	v4 =	vld [tilespmem:s28+$0xFFFFFFC0]  }
0xc1: {  	v5 =	vld [tilespmem:s28+$0x30]  }
0xc2: {  	s13 =	sshll.u32 s9, $0x7;
	v7 =	vld [tilespmem:s28+$0xFFFFFFD0]  }
0xc3: {  	s13 =	sand.u32 $0x380, s13;
	s2 =	smul.u32 $0x3000, s2;
	v8 =	vld [tilespmem:s28+$0xFFFFFFE0]  }
0xc4: {  	v3 =	vmov s13;
	v9 =	vld [tilespmem:s28+$0xFFFFFFF0]  }
0xc5: {  	s15 =	simm.s32 $0x0;
	s2 =	sshra.s32 s2, $0x2;
	v10 =	vld [tilespmem:s28+$0x0]  }
0xc6: {  	s26 =	sand.u32 $0xC00, s15;
	s11 =	sor.u32 $0x200, s2;
	v11 =	vld [tilespmem:s28+$0x10]  }
0xc7: {  	s12 =	sand.u32 $0x40, s15;
	s2 =	sadd.s32 s26, s11;
	v12 =	vld [tilespmem:s28+$0x20];
	s26 =	sadd.s32 $0x400, s28  }
0xc8: {  	s2 =	sadd.s32 s12, s2;
	v16 =	vld [tilespmem:s26+$0xFFFFFFC0]  }
0xc9: {  	v6 =	vld.idx.msk [tilespmem:v3+s2+$0x30 ss:$0x1], $0xffff  }
0xca: {  	v13 =	vld.idx.msk [tilespmem:v3+s2+$0x0 ss:$0x1], $0xffff  }
0xcb: {  	s13 =	simm.s32 $0x200;
	v18 =	vld [tilespmem:s26+$0x30];
	v4 =	vmul.f32 $2.771281240e+01, v4  }
0xcc: {  	s14 =	simm.s32 $0x40;
	s12 =	sand.u32 $0xC00, s13;
	v21 =	vld [tilespmem:s26+$0xFFFFFFF0];
	v5 =	vmul.f32 $2.771281240e+01, v5;
	v7 =	vmul.f32 $2.771281240e+01, v7  }
0xcd: {  	s15 =	sand.u32 $0x40, s14;
	v14 =	vld.idx.msk [tilespmem:v3+s2+$0x10 ss:$0x1], $0xffff;
	s12 =	sadd.s32 s12, s11;
	v8 =	vmul.f32 $2.771281240e+01, v8;
	v19 =	vmul.f32 $2.771281240e+01, v9  }
0xce: {  	v15 =	vld.idx.msk [tilespmem:v3+s2+$0x20 ss:$0x1], $0xffff;
	s29 =	sadd.s32 s15, s12;
	v9 =	vmul.f32 $2.771281240e+01, v12;
	v17 =	vand.u32 $0xFFFF0000, v6;
	v6 =	vshll.u32 v6, $0x10  }
0xcf: {  	v12 =	vld.idx.msk [tilespmem:v3+s29+$0x30 ss:$0x1], $0xffff;
	v20 =	vmul.f32 $2.771281240e+01, v11;
	v11 =	vand.u32 $0xFFFF0000, v13;
	v5 =	vadd.f32 v6, v5  }
0xd0: {  	v13 =	vshll.u32 v13, $0x10;
	v6 =	vmul.f32 $2.771281240e+01, v10;
	v10 =	vld [tilespmem:s26+$0xFFFFFFD0];
	v9 =	vadd.f32 v17, v9  }
0xd1: {  	v18 =	vmul.f32 $2.771281240e+01, v18;
	v17 =	vld [tilespmem:s26+$0xFFFFFFE0];
	v7 =	vadd.f32 v13, v7;
	[tilespmem:s28+$0x30] =	vst v5;
	v5 =	vadd.f32 v11, v4  }
0xd2: {  	v11 =	vand.u32 $0xFFFF0000, v14;
	v14 =	vshll.u32 v14, $0x10;
	v4 =	vmul.f32 $2.771281240e+01, v16;
	[tilespmem:s28+$0x20] =	vst v9;
	v9 =	vld [tilespmem:s26+$0x0]  }
0xd3: {  	v16 =	vand.u32 $0xFFFF0000, v15;
	v15 =	vshll.u32 v15, $0x10;
	[tilespmem:s28+$0xFFFFFFD0] =	vst v7;
	v22 =	vadd.f32 v11, v8;
	v8 =	vld [tilespmem:s26+$0x10]  }
0xd4: {  	v7 =	vshll.u32 v12, $0x10;
	v19 =	vadd.f32 v14, v19;
	v13 =	vadd.f32 v16, v6;
	v14 =	vld [tilespmem:s26+$0x20];
	[tilespmem:s28+$0xFFFFFFC0] =	vst v5  }
0xd5: {  	s30 =	simm.s32 $0x80;
	v11 =	vld.idx.msk [tilespmem:v3+s29+$0x0 ss:$0x1], $0xffff;
	v16 =	vadd.f32 v7, v18;
	v15 =	vadd.f32 v15, v20;
	v7 =	vmul.f32 $2.771281240e+01, v21;
	[tilespmem:s28+$0xFFFFFFE0] =	vst v22  }
0xd6: {  	s13 =	simm.s32 $0x400;
	s14 =	smov.u32 s26;
	s12 =	simm.s32 $0x4;
	v5 =	vmul.f32 $2.771281240e+01, v10;
	v10 =	vand.u32 $0xFFFF0000, v12;
	v6 =	vmul.f32 $2.771281240e+01, v17;
	v12 =	vld.idx.msk [tilespmem:v3+s29+$0x10 ss:$0x1], $0xffff;
	[tilespmem:s28+$0xFFFFFFF0] =	vst v19  }
.LBB2_3:
0xd7: {  	s2 =	sand.u32 $0xC00, s13;
	s12 =	sadd.s32 $0x4, s12;
	v17 =	vld.idx.msk [tilespmem:v3+s29+$0x20 ss:$0x1], $0xffff;
	v18 =	vmul.f32 $2.771281240e+01, v9;
	[tilespmem:s26+$0x30] =	vst v16;
	s14 =	sadd.s32 $0x400, s14  }
0xd8: {  	s29 =	sand.u32 $0x40, s30;
	s2 =	sadd.s32 s2, s11;
	v9 =	vld [tilespmem:s14+$0xFFFFFFC0];
	p0 =	slt.u32 s12, $0x14;
	v19 =	vmul.f32 $2.771281240e+01, v8;
	[tilespmem:s28+$0x0] =	vst v13  }
0xd9: {  	s29 =	sadd.s32 s29, s2;
	v13 =	vld [tilespmem:s14+$0x30];
	v8 =	vmul.f32 $2.771281240e+01, v14;
	[tilespmem:s28+$0x10] =	vst v15;
	s28 =	smov.u32 s26;
	s26 =	smov.u32 s14  }
0xda: {  	v14 =	vld.idx.msk [tilespmem:v3+s29+$0x30 ss:$0x1], $0xffff  }
0xdb: {  	v16 =	vand.u32 $0xFFFF0000, v11;
	v11 =	vshll.u32 v11, $0x10;
	v15 =	vld [tilespmem:s14+$0xFFFFFFD0];
	v8 =	vadd.f32 v10, v8  }
0xdc: {  	v10 =	vadd.f32 v16, v4;
	v16 =	vand.u32 $0xFFFF0000, v12;
	v12 =	vshll.u32 v12, $0x10;
	v20 =	vld [tilespmem:s14+$0xFFFFFFE0]  }
0xdd: {  	v22 =	vand.u32 $0xFFFF0000, v17;
	v17 =	vshll.u32 v17, $0x10;
	v4 =	vmul.f32 $2.771281240e+01, v9;
	v21 =	vld [tilespmem:s14+$0xFFFFFFF0];
	[tilespmem:s28+$0x20] =	vst v8  }
.Ltmp0:
0xde: {  	v11 =	vadd.f32 v11, v5;
	v23 =	vadd.f32 v16, v6;
	v9 =	vld [tilespmem:s14+$0x0];
	[tilespmem:s28+$0xFFFFFFC0] =	vst v10;
	(pc) =	sbr.rel @p0 .LBB2_3-.Ltmp0, $4  }
0xdf: {  	v24 =	vadd.f32 v12, v7;
	v16 =	vmul.f32 $2.771281240e+01, v13;
	v13 =	vadd.f32 v22, v18;
	v8 =	vld [tilespmem:s14+$0x10]  }
0xe0: {  	v10 =	vand.u32 $0xFFFF0000, v14;
	v7 =	vshll.u32 v14, $0x10;
	v5 =	vmul.f32 $2.771281240e+01, v15;
	v14 =	vld [tilespmem:s14+$0x20];
	[tilespmem:s28+$0xFFFFFFD0] =	vst v11  }
0xe1: {  	v16 =	vadd.f32 v7, v16;
	v15 =	vadd.f32 v17, v19;
	v11 =	vld.idx.msk [tilespmem:v3+s29+$0x0 ss:$0x1], $0xffff;
	v6 =	vmul.f32 $2.771281240e+01, v20;
	[tilespmem:s28+$0xFFFFFFE0] =	vst v23  }
0xe2: {  	s30 =	sadd.s32 $0x40, s30;
	s13 =	sadd.s32 $0x200, s13;
	v12 =	vld.idx.msk [tilespmem:v3+s29+$0x10 ss:$0x1], $0xffff;
	v7 =	vmul.f32 $2.771281240e+01, v21;
	[tilespmem:s28+$0xFFFFFFF0] =	vst v24  }
0xe3: {  	_ =	sdelay $0x2  }
0xe4: {  	v14 =	vmul.f32 $2.771281240e+01, v14  }
0xe5: {  	v3 =	vld.idx.msk [tilespmem:v3+s29+$0x20 ss:$0x1], $0xffff;
	[tilespmem:s26+$0x30] =	vst v16  }
0xe6: {  	[tilespmem:s28+$0x0] =	vst v13;
	v56 =	vand.u32 $0xFFFF0000, v11;
	v10 =	vadd.f32 v10, v14  }
0xe7: {  	[tilespmem:s28+$0x10] =	vst v15;
	v57 =	vshll.u32 v11, $0x10;
	v4 =	vadd.f32 v56, v4  }
0xe8: {  	s9 =	sadd.s32 $0x1, s9;
	v58 =	vand.u32 $0xFFFF0000, v12;
	v5 =	vadd.f32 v57, v5;
	[tilespmem:s26+$0x20] =	vst v10  }
0xe9: {  	v9 =	vmul.f32 $2.771281240e+01, v9;
	p0 =	sne.s32 s9, $0x10;
	v59 =	vshll.u32 v12, $0x10;
	v60 =	vadd.f32 v58, v6;
	[tilespmem:s26+$0xFFFFFFC0] =	vst v4  }
.Ltmp1:
0xea: {  	v61 =	vmul.f32 $2.771281240e+01, v8;
	v62 =	vand.u32 $0xFFFF0000, v3;
	v7 =	vadd.f32 v59, v7;
	[tilespmem:s26+$0xFFFFFFD0] =	vst v5;
	(pc) =	sbr.rel @p0 .LBB2_2-.Ltmp1, $4  }
0xeb: {  	v3 =	vshll.u32 v3, $0x10;
	v63 =	vadd.f32 v62, v9;
	[tilespmem:s26+$0xFFFFFFE0] =	vst v60  }
0xec: {  	v3 =	vadd.f32 v3, v61;
	[tilespmem:s26+$0xFFFFFFF0] =	vst v7  }
0xed: {  	[tilespmem:s26+$0x0] =	vst v63  }
0xee: {  	s24 =	sadd.s32 $0x1, s24;
	[tilespmem:s26+$0x10] =	vst v3  }
0xef: {  	s24 =	simm.s32 $0x0  }
0xf0: {  	[hbm4b:s6+s24] =	stream.linear.scatter [tilespmem:s19], [sflag:$0x3], $0x3000, $0x38;
	[tilespmem:$0x1E200] =	vst v63  }
0xf1: {  	_ =	swait.ge [sflag:s20], $0x9000  }
0xf2: {  	[sflag:s20] =	ssyncset.done $0x0  }
0xf3: {  	s9 =	simm.s32 $0x10;
	s26 =	simm.s32 $0x0;
	[sflag:s20] =	ssyncadd.s32 $0xFFFF7000  }
.LBB2_6:
0xf4: {  	s2 =	sshrl.u32 s9, $0x3  }
0xf5: {  	s12 =	sand.u32 $0x7, s26;
	s11 =	smul.u32 $0x6000, s2  }
0xf6: {  	s12 =	sshll.u32 s12, $0x9  }
0xf7: {  	s11 =	sor.u32 s12, s11  }
0xf8: {  	s11 =	sshra.s32 s11, $0x2  }
0xf9: {  	s11 =	sadd.s32 $0x6240, s11  }
0xfa: {  	v4 =	vld [tilespmem:s11+$0xFFFFFFC0]  }
0xfb: {  	s13 =	sshll.u32 s9, $0x7;
	v5 =	vld [tilespmem:s11+$0x30]  }
0xfc: {  	s13 =	sand.u32 $0x380, s13;
	s2 =	smul.u32 $0x3000, s2;
	v7 =	vld [tilespmem:s11+$0xFFFFFFD0]  }
0xfd: {  	v3 =	vmov s13;
	v8 =	vld [tilespmem:s11+$0xFFFFFFE0]  }
0xfe: {  	s2 =	sshra.s32 s2, $0x2;
	v9 =	vld [tilespmem:s11+$0xFFFFFFF0]  }
0xff: {  	s12 =	sand.u32 $0xC00, s24;
	s29 =	sor.u32 $0x200, s2;
	v10 =	vld [tilespmem:s11+$0x0]  }
0x100: {  	s13 =	sand.u32 $0x40, s24;
	s2 =	sadd.s32 s12, s29;
	v11 =	vld [tilespmem:s11+$0x10]  }
0x101: {  	s2 =	sadd.s32 s13, s2;
	v12 =	vld [tilespmem:s11+$0x20]  }
0x102: {  	v6 =	vld.idx.msk [tilespmem:v3+s2+$0x30 ss:$0x1], $0xffff  }
0x103: {  	v13 =	vld.idx.msk [tilespmem:v3+s2+$0x0 ss:$0x1], $0xffff  }
0x104: {  	v14 =	vld.idx.msk [tilespmem:v3+s2+$0x10 ss:$0x1], $0xffff  }
0x105: {  	s14 =	simm.s32 $0x200;
	v15 =	vld.idx.msk [tilespmem:v3+s2+$0x20 ss:$0x1], $0xffff;
	s2 =	sadd.s32 $0x400, s11;
	v4 =	vmul.f32 $2.771281240e+01, v4  }
0x106: {  	s15 =	simm.s32 $0x40;
	s12 =	sand.u32 $0xC00, s14;
	v18 =	vld [tilespmem:s2+$0x30];
	v5 =	vmul.f32 $2.771281240e+01, v5;
	v7 =	vmul.f32 $2.771281240e+01, v7  }
0x107: {  	s13 =	sand.u32 $0x40, s15;
	s12 =	sadd.s32 s12, s29;
	v16 =	vld [tilespmem:s2+$0xFFFFFFC0];
	v8 =	vmul.f32 $2.771281240e+01, v8;
	v19 =	vmul.f32 $2.771281240e+01, v9  }
0x108: {  	s12 =	sadd.s32 s13, s12;
	v21 =	vld [tilespmem:s2+$0xFFFFFFF0];
	v9 =	vmul.f32 $2.771281240e+01, v12;
	v17 =	vand.u32 $0xFFFF0000, v6;
	v6 =	vshll.u32 v6, $0x10  }
0x109: {  	v12 =	vld.idx.msk [tilespmem:v3+s12+$0x30 ss:$0x1], $0xffff;
	v20 =	vmul.f32 $2.771281240e+01, v11;
	v11 =	vand.u32 $0xFFFF0000, v13;
	v5 =	vadd.f32 v6, v5  }
0x10a: {  	v13 =	vshll.u32 v13, $0x10;
	v6 =	vmul.f32 $2.771281240e+01, v10;
	v10 =	vld [tilespmem:s2+$0xFFFFFFD0];
	v9 =	vadd.f32 v17, v9  }
0x10b: {  	v17 =	vld [tilespmem:s2+$0xFFFFFFE0];
	v7 =	vadd.f32 v13, v7;
	v18 =	vmul.f32 $2.771281240e+01, v18;
	[tilespmem:s11+$0x30] =	vst v5;
	v5 =	vadd.f32 v11, v4  }
0x10c: {  	v11 =	vand.u32 $0xFFFF0000, v14;
	v14 =	vshll.u32 v14, $0x10;
	v4 =	vmul.f32 $2.771281240e+01, v16;
	[tilespmem:s11+$0x20] =	vst v9;
	v9 =	vld [tilespmem:s2+$0x0]  }
0x10d: {  	v16 =	vand.u32 $0xFFFF0000, v15;
	v15 =	vshll.u32 v15, $0x10;
	[tilespmem:s11+$0xFFFFFFD0] =	vst v7;
	v22 =	vadd.f32 v11, v8;
	v8 =	vld [tilespmem:s2+$0x10]  }
0x10e: {  	v19 =	vadd.f32 v14, v19;
	v13 =	vadd.f32 v16, v6;
	v14 =	vld [tilespmem:s2+$0x20];
	v7 =	vshll.u32 v12, $0x10;
	[tilespmem:s11+$0xFFFFFFC0] =	vst v5  }
0x10f: {  	s30 =	simm.s32 $0x4;
	v11 =	vld.idx.msk [tilespmem:v3+s12+$0x0 ss:$0x1], $0xffff;
	v15 =	vadd.f32 v15, v20;
	v16 =	vadd.f32 v7, v18;
	v7 =	vmul.f32 $2.771281240e+01, v21;
	[tilespmem:s11+$0xFFFFFFE0] =	vst v22  }
0x110: {  	s14 =	simm.s32 $0x400;
	s13 =	simm.s32 $0x80;
	s28 =	smov.u32 s2;
	v5 =	vmul.f32 $2.771281240e+01, v10;
	v10 =	vand.u32 $0xFFFF0000, v12;
	v6 =	vmul.f32 $2.771281240e+01, v17;
	v12 =	vld.idx.msk [tilespmem:v3+s12+$0x10 ss:$0x1], $0xffff;
	[tilespmem:s11+$0xFFFFFFF0] =	vst v19  }
.LBB2_7:
0x111: {  	s15 =	sand.u32 $0xC00, s14;
	s30 =	sadd.s32 $0x4, s30;
	v17 =	vld.idx.msk [tilespmem:v3+s12+$0x20 ss:$0x1], $0xffff;
	v18 =	vmul.f32 $2.771281240e+01, v9;
	[tilespmem:s2+$0x30] =	vst v16;
	s28 =	sadd.s32 $0x400, s28  }
0x112: {  	s12 =	sand.u32 $0x40, s13;
	s15 =	sadd.s32 s15, s29;
	v9 =	vld [tilespmem:s28+$0xFFFFFFC0];
	p0 =	slt.u32 s30, $0x14;
	v19 =	vmul.f32 $2.771281240e+01, v8;
	[tilespmem:s11+$0x0] =	vst v13  }
0x113: {  	s12 =	sadd.s32 s12, s15;
	v13 =	vld [tilespmem:s28+$0x30];
	v8 =	vmul.f32 $2.771281240e+01, v14;
	[tilespmem:s11+$0x10] =	vst v15;
	s11 =	smov.u32 s2;
	s2 =	smov.u32 s28  }
0x114: {  	v14 =	vld.idx.msk [tilespmem:v3+s12+$0x30 ss:$0x1], $0xffff  }
0x115: {  	v16 =	vand.u32 $0xFFFF0000, v11;
	v11 =	vshll.u32 v11, $0x10;
	v15 =	vld [tilespmem:s28+$0xFFFFFFD0];
	v8 =	vadd.f32 v10, v8  }
0x116: {  	v10 =	vadd.f32 v16, v4;
	v16 =	vand.u32 $0xFFFF0000, v12;
	v12 =	vshll.u32 v12, $0x10;
	v20 =	vld [tilespmem:s28+$0xFFFFFFE0]  }
0x117: {  	v22 =	vand.u32 $0xFFFF0000, v17;
	v17 =	vshll.u32 v17, $0x10;
	v4 =	vmul.f32 $2.771281240e+01, v9;
	v21 =	vld [tilespmem:s28+$0xFFFFFFF0];
	[tilespmem:s11+$0x20] =	vst v8  }
.Ltmp2:
0x118: {  	v11 =	vadd.f32 v11, v5;
	v23 =	vadd.f32 v16, v6;
	v9 =	vld [tilespmem:s28+$0x0];
	[tilespmem:s11+$0xFFFFFFC0] =	vst v10;
	(pc) =	sbr.rel @p0 .LBB2_7-.Ltmp2, $4  }
0x119: {  	v24 =	vadd.f32 v12, v7;
	v16 =	vmul.f32 $2.771281240e+01, v13;
	v13 =	vadd.f32 v22, v18;
	v8 =	vld [tilespmem:s28+$0x10]  }
0x11a: {  	v10 =	vand.u32 $0xFFFF0000, v14;
	v7 =	vshll.u32 v14, $0x10;
	v5 =	vmul.f32 $2.771281240e+01, v15;
	v14 =	vld [tilespmem:s28+$0x20];
	[tilespmem:s11+$0xFFFFFFD0] =	vst v11  }
0x11b: {  	v16 =	vadd.f32 v7, v16;
	v15 =	vadd.f32 v17, v19;
	v11 =	vld.idx.msk [tilespmem:v3+s12+$0x0 ss:$0x1], $0xffff;
	v6 =	vmul.f32 $2.771281240e+01, v20;
	[tilespmem:s11+$0xFFFFFFE0] =	vst v23  }
0x11c: {  	s13 =	sadd.s32 $0x40, s13;
	s14 =	sadd.s32 $0x200, s14;
	v12 =	vld.idx.msk [tilespmem:v3+s12+$0x10 ss:$0x1], $0xffff;
	v7 =	vmul.f32 $2.771281240e+01, v21;
	[tilespmem:s11+$0xFFFFFFF0] =	vst v24  }
0x11d: {  	_ =	sdelay $0x2  }
0x11e: {  	v14 =	vmul.f32 $2.771281240e+01, v14  }
0x11f: {  	v3 =	vld.idx.msk [tilespmem:v3+s12+$0x20 ss:$0x1], $0xffff;
	[tilespmem:s2+$0x30] =	vst v16  }
0x120: {  	[tilespmem:s11+$0x0] =	vst v13;
	v56 =	vand.u32 $0xFFFF0000, v11;
	v10 =	vadd.f32 v10, v14  }
0x121: {  	[tilespmem:s11+$0x10] =	vst v15;
	v57 =	vshll.u32 v11, $0x10;
	v4 =	vadd.f32 v56, v4  }
0x122: {  	s9 =	sadd.s32 $0x1, s9;
	v58 =	vand.u32 $0xFFFF0000, v12;
	v5 =	vadd.f32 v57, v5;
	[tilespmem:s2+$0x20] =	vst v10  }
0x123: {  	v9 =	vmul.f32 $2.771281240e+01, v9;
	p0 =	sne.s32 s9, $0x40;
	v59 =	vshll.u32 v12, $0x10;
	v60 =	vadd.f32 v58, v6;
	[tilespmem:s2+$0xFFFFFFC0] =	vst v4  }
.Ltmp3:
0x124: {  	v61 =	vmul.f32 $2.771281240e+01, v8;
	v62 =	vand.u32 $0xFFFF0000, v3;
	v7 =	vadd.f32 v59, v7;
	[tilespmem:s2+$0xFFFFFFD0] =	vst v5;
	(pc) =	sbr.rel @p0 .LBB2_6-.Ltmp3, $4  }
0x125: {  	v3 =	vshll.u32 v3, $0x10;
	v63 =	vadd.f32 v62, v9;
	[tilespmem:s2+$0xFFFFFFE0] =	vst v60  }
0x126: {  	v3 =	vadd.f32 v3, v61;
	[tilespmem:s2+$0xFFFFFFF0] =	vst v7  }
0x127: {  	[tilespmem:s2+$0x0] =	vst v63  }
0x128: {  	s26 =	sadd.s32 $0x1, s26;
	[tilespmem:s2+$0x10] =	vst v3  }
0x129: {  	s24 =	simm.s32 $0x0;
	s2 =	rddreg [dreg:$0x6]  }
0x12a: {  	[hbm4b:s2+s24] =	stream.linear.scatter [tilespmem:s25], [sflag:$0x3], $0x9000, $0x38;
	[tilespmem:$0x1E200] =	vst v63  }
0x12b: {  	_ =	swait.ge [sflag:s5], $0x3000  }
0x12c: {  	[sflag:s5] =	ssyncset.done $0x0  }
0x12d: {  	[sflag:s5] =	ssyncadd.s32 $0xFFFFD000  }
0x12e: {  	_ =	swait.ge [sflag:s5], $0x9000  }
0x12f: {  	[sflag:s5] =	ssyncset.done $0x0  }
0x130: {  	[sflag:s5] =	ssyncadd.s32 $0xFFFF7000  }
0x131: {  	v3 =	vld [tilespmem:$0x100];
	_ =	sdelay $0x4  }
0x132: {  	v4 =	vshrl.u32 v3, $0x3  }
0x133: {  	v4 =	vmul.u32 $0x30, v4  }
0x134: {  	v3 =	vand.u32 $0x7, v3  }
0x135: {  	v3 =	vor.u32 v3, v4  }
0x136: {  	v4 =	vperm.xlane v3, v0;
	_ =	sdelay $0x1  }
0x137: {  	v4 =	vadd.s32 v1, v4;
	_ =	sdelay $0x3  }
0x138: {  	v3 =	vperm.xlane v3, v2  }
0x139: {  	[tilespmem:s19], [sflag:$0x1] =	stream.indirect_vreg.gather [hbm4b:s1+s24], $0x80, v4, vm0, $0xb8;
	[tilespmem:$0x1E200] =	vst v63  }
0x13a: {  	s30 =	simm.s32 $0x6A00;
	v3 =	vadd.s32 v1, v3  }
0x13b: {  	[tilespmem:s30], [sflag:$0x1] =	stream.indirect_vreg.gather [hbm4b:s7+s24], $0x80, v4, vm0, $0xb8;
	[tilespmem:$0x1E200] =	vst v63  }
0x13c: {  	s9 =	simm.s32 $0x7200  }
0x13d: {  	[tilespmem:s9], [sflag:$0x1] =	stream.indirect_vreg.gather [hbm4b:s8+s24], $0x80, v4, vm0, $0xb8;
	[tilespmem:$0x1E200] =	vst v63  }
0x13e: {  	s11 =	simm.s32 $0x7A00  }
0x13f: {  	[tilespmem:s11], [sflag:$0x1] =	stream.indirect_vreg.gather [hbm4b:s1+s24], $0x80, v3, vm0, $0xb8;
	[tilespmem:$0x1E200] =	vst v63  }
0x140: {  	s12 =	simm.s32 $0x8200  }
0x141: {  	[tilespmem:s12], [sflag:$0x1] =	stream.indirect_vreg.gather [hbm4b:s7+s24], $0x80, v3, vm0, $0xb8;
	[tilespmem:$0x1E200] =	vst v63  }
0x142: {  	s13 =	simm.s32 $0x8A00  }
0x143: {  	[tilespmem:s13], [sflag:$0x1] =	stream.indirect_vreg.gather [hbm4b:s8+s24], $0x80, v3, vm0, $0xb8;
	[tilespmem:$0x1E200] =	vst v63  }
0x144: {  	v3 =	vld [tilespmem:$0x110];
	_ =	sdelay $0x4  }
0x145: {  	v61 =	vshrl.u32 v3, $0x3  }
0x146: {  	v4 =	vmul.u32 $0x30, v61  }
0x147: {  	v3 =	vand.u32 $0x7, v3  }
0x148: {  	v3 =	vor.u32 v3, v4  }
0x149: {  	v4 =	vperm.xlane v3, v0;
	_ =	sdelay $0x1  }
0x14a: {  	v4 =	vadd.s32 v1, v4;
	_ =	sdelay $0x3  }
0x14b: {  	v3 =	vperm.xlane v3, v2  }
0x14c: {  	[tilespmem:s25], [sflag:$0x1] =	stream.indirect_vreg.gather [hbm4b:s1+s24], $0x80, v4, vm0, $0xb8;
	[tilespmem:$0x1E200] =	vst v63  }
0x14d: {  	s14 =	simm.s32 $0x9A00;
	v3 =	vadd.s32 v1, v3  }
0x14e: {  	[tilespmem:s14], [sflag:$0x1] =	stream.indirect_vreg.gather [hbm4b:s7+s24], $0x80, v4, vm0, $0xb8;
	[tilespmem:$0x1E200] =	vst v63  }
0x14f: {  	s15 =	simm.s32 $0xA200  }
0x150: {  	[tilespmem:s15], [sflag:$0x1] =	stream.indirect_vreg.gather [hbm4b:s8+s24], $0x80, v4, vm0, $0xb8;
	[tilespmem:$0x1E200] =	vst v63  }
0x151: {  	s26 =	simm.s32 $0xAA00  }
0x152: {  	[tilespmem:s26], [sflag:$0x1] =	stream.indirect_vreg.gather [hbm4b:s1+s24], $0x80, v3, vm0, $0xb8;
	[tilespmem:$0x1E200] =	vst v63  }
0x153: {  	s28 =	simm.s32 $0xB200  }
0x154: {  	[tilespmem:s28], [sflag:$0x1] =	stream.indirect_vreg.gather [hbm4b:s7+s24], $0x80, v3, vm0, $0xb8;
	[tilespmem:$0x1E200] =	vst v63  }
0x155: {  	s29 =	simm.s32 $0xBA00  }
0x156: {  	[tilespmem:s29], [sflag:$0x1] =	stream.indirect_vreg.gather [hbm4b:s8+s24], $0x80, v3, vm0, $0xb8;
	[tilespmem:$0x1E200] =	vst v63  }
0x157: {  	v3 =	vld [tilespmem:$0x120];
	_ =	sdelay $0x4  }
0x158: {  	v62 =	vshrl.u32 v3, $0x3  }
0x159: {  	v4 =	vmul.u32 $0x30, v62  }
0x15a: {  	v3 =	vand.u32 $0x7, v3  }
0x15b: {  	v3 =	vor.u32 v3, v4  }
0x15c: {  	v4 =	vperm.xlane v3, v0;
	_ =	sdelay $0x1  }
0x15d: {  	v4 =	vadd.s32 v1, v4;
	_ =	sdelay $0x3  }
0x15e: {  	v3 =	vperm.xlane v3, v2  }
0x15f: {  	[tilespmem:s0], [sflag:$0x1] =	stream.indirect_vreg.gather [hbm4b:s1+s24], $0x80, v4, vm0, $0xb8;
	[tilespmem:$0x1E200] =	vst v63  }
0x160: {  	s30 =	simm.s32 $0xCA00;
	v3 =	vadd.s32 v1, v3  }
0x161: {  	[tilespmem:s30], [sflag:$0x1] =	stream.indirect_vreg.gather [hbm4b:s7+s24], $0x80, v4, vm0, $0xb8;
	[tilespmem:$0x1E200] =	vst v63  }
0x162: {  	s9 =	simm.s32 $0xD200  }
0x163: {  	[tilespmem:s9], [sflag:$0x1] =	stream.indirect_vreg.gather [hbm4b:s8+s24], $0x80, v4, vm0, $0xb8;
	[tilespmem:$0x1E200] =	vst v63  }
0x164: {  	s11 =	simm.s32 $0xDA00  }
0x165: {  	[tilespmem:s11], [sflag:$0x1] =	stream.indirect_vreg.gather [hbm4b:s1+s24], $0x80, v3, vm0, $0xb8;
	[tilespmem:$0x1E200] =	vst v63  }
0x166: {  	s12 =	simm.s32 $0xE200  }
0x167: {  	[tilespmem:s12], [sflag:$0x1] =	stream.indirect_vreg.gather [hbm4b:s7+s24], $0x80, v3, vm0, $0xb8;
	[tilespmem:$0x1E200] =	vst v63  }
0x168: {  	s13 =	simm.s32 $0xEA00  }
0x169: {  	[tilespmem:s13], [sflag:$0x1] =	stream.indirect_vreg.gather [hbm4b:s8+s24], $0x80, v3, vm0, $0xb8;
	[tilespmem:$0x1E200] =	vst v63  }
0x16a: {  	v3 =	vld [tilespmem:$0x130];
	_ =	sdelay $0x4  }
0x16b: {  	v63 =	vshrl.u32 v3, $0x3  }
0x16c: {  	v4 =	vmul.u32 $0x30, v63  }
0x16d: {  	v3 =	vand.u32 $0x7, v3  }
0x16e: {  	v3 =	vor.u32 v3, v4  }
0x16f: {  	v4 =	vperm.xlane v3, v0;
	_ =	sdelay $0x1  }
0x170: {  	v4 =	vadd.s32 v1, v4;
	_ =	sdelay $0x3  }
0x171: {  	s14 =	simm.s32 $0xF200;
	v3 =	vperm.xlane v3, v2  }
0x172: {  	[tilespmem:s14], [sflag:$0x1] =	stream.indirect_vreg.gather [hbm4b:s1+s24], $0x80, v4, vm0, $0xb8;
	[tilespmem:$0x1E200] =	vst v63  }
0x173: {  	s15 =	simm.s32 $0xFA00;
	v3 =	vadd.s32 v1, v3  }
0x174: {  	[tilespmem:s15], [sflag:$0x1] =	stream.indirect_vreg.gather [hbm4b:s7+s24], $0x80, v4, vm0, $0xb8;
	[tilespmem:$0x1E200] =	vst v63  }
0x175: {  	s26 =	simm.s32 $0x10200  }
0x176: {  	[tilespmem:s26], [sflag:$0x1] =	stream.indirect_vreg.gather [hbm4b:s8+s24], $0x80, v4, vm0, $0xb8;
	[tilespmem:$0x1E200] =	vst v63  }
0x177: {  	s28 =	simm.s32 $0x10A00  }
0x178: {  	[tilespmem:s28], [sflag:$0x1] =	stream.indirect_vreg.gather [hbm4b:s1+s24], $0x80, v3, vm0, $0xb8;
	[tilespmem:$0x1E200] =	vst v63  }
0x179: {  	s29 =	simm.s32 $0x11200  }
0x17a: {  	[tilespmem:s29], [sflag:$0x1] =	stream.indirect_vreg.gather [hbm4b:s7+s24], $0x80, v3, vm0, $0xb8;
	[tilespmem:$0x1E200] =	vst v63  }
0x17b: {  	s30 =	simm.s32 $0x11A00  }
0x17c: {  	[tilespmem:s30], [sflag:$0x1] =	stream.indirect_vreg.gather [hbm4b:s8+s24], $0x80, v3, vm0, $0xb8;
	[tilespmem:$0x1E200] =	vst v63  }
0x17d: {  	_ =	swait.ge [sflag:s21], $0xC000  }
0x17e: {  	[sflag:s21] =	ssyncset.done $0x0  }
0x17f: {  	s9 =	simm.s32 $0x0;
	s26 =	simm.s32 $0x0;
	[sflag:s21] =	ssyncadd.s32 $0xFFFF4000  }
.LBB2_10:
0x180: {  	s2 =	sshrl.u32 s26, $0x3  }
0x181: {  	s12 =	sand.u32 $0x7, s9;
	s11 =	smul.u32 $0x6000, s2  }
0x182: {  	s12 =	sshll.u32 s12, $0x9  }
0x183: {  	s11 =	sor.u32 s12, s11  }
0x184: {  	s11 =	sshra.s32 s11, $0x2  }
0x185: {  	s11 =	sadd.s32 $0x12240, s11  }
0x186: {  	v4 =	vld [tilespmem:s11+$0xFFFFFFC0]  }
0x187: {  	s13 =	sshll.u32 s26, $0x7;
	v5 =	vld [tilespmem:s11+$0x30]  }
0x188: {  	s13 =	sand.u32 $0x380, s13;
	s2 =	smul.u32 $0x3000, s2;
	v7 =	vld [tilespmem:s11+$0xFFFFFFD0]  }
0x189: {  	v3 =	vmov s13;
	v8 =	vld [tilespmem:s11+$0xFFFFFFE0]  }
0x18a: {  	s2 =	sshra.s32 s2, $0x2;
	v9 =	vld [tilespmem:s11+$0xFFFFFFF0]  }
0x18b: {  	s14 =	sand.u32 $0xC00, s24;
	s29 =	sor.u32 $0x200, s2;
	v10 =	vld [tilespmem:s11+$0x0]  }
0x18c: {  	s15 =	sand.u32 $0x40, s24;
	s2 =	sadd.s32 s14, s29;
	v11 =	vld [tilespmem:s11+$0x10]  }
0x18d: {  	s2 =	sadd.s32 s15, s2;
	v12 =	vld [tilespmem:s11+$0x20]  }
0x18e: {  	v6 =	vld.idx.msk [tilespmem:v3+s2+$0x30 ss:$0x1], $0xffff  }
0x18f: {  	v13 =	vld.idx.msk [tilespmem:v3+s2+$0x0 ss:$0x1], $0xffff  }
0x190: {  	v14 =	vld.idx.msk [tilespmem:v3+s2+$0x10 ss:$0x1], $0xffff  }
0x191: {  	s13 =	simm.s32 $0x200;
	s28 =	sadd.s32 $0x400, s11;
	v15 =	vld.idx.msk [tilespmem:v3+s2+$0x20 ss:$0x1], $0xffff;
	v4 =	vmul.f32 $2.771281240e+01, v4  }
0x192: {  	s12 =	sand.u32 $0xC00, s13;
	s14 =	simm.s32 $0x40;
	v18 =	vld [tilespmem:s28+$0x30];
	v5 =	vmul.f32 $2.771281240e+01, v5;
	v7 =	vmul.f32 $2.771281240e+01, v7  }
0x193: {  	s12 =	sadd.s32 s12, s29;
	s15 =	sand.u32 $0x40, s14;
	v16 =	vld [tilespmem:s28+$0xFFFFFFC0];
	v8 =	vmul.f32 $2.771281240e+01, v8;
	v19 =	vmul.f32 $2.771281240e+01, v9  }
0x194: {  	s12 =	sadd.s32 s15, s12;
	v21 =	vld [tilespmem:s28+$0xFFFFFFF0];
	v9 =	vmul.f32 $2.771281240e+01, v12;
	v17 =	vand.u32 $0xFFFF0000, v6;
	v6 =	vshll.u32 v6, $0x10  }
0x195: {  	v12 =	vld.idx.msk [tilespmem:v3+s12+$0x30 ss:$0x1], $0xffff;
	v20 =	vmul.f32 $2.771281240e+01, v11;
	v11 =	vand.u32 $0xFFFF0000, v13;
	v5 =	vadd.f32 v6, v5  }
0x196: {  	v13 =	vshll.u32 v13, $0x10;
	v6 =	vmul.f32 $2.771281240e+01, v10;
	v10 =	vld [tilespmem:s28+$0xFFFFFFD0];
	v9 =	vadd.f32 v17, v9  }
0x197: {  	v18 =	vmul.f32 $2.771281240e+01, v18;
	v17 =	vld [tilespmem:s28+$0xFFFFFFE0];
	v7 =	vadd.f32 v13, v7;
	[tilespmem:s11+$0x30] =	vst v5;
	v5 =	vadd.f32 v11, v4  }
0x198: {  	v11 =	vand.u32 $0xFFFF0000, v14;
	v14 =	vshll.u32 v14, $0x10;
	v4 =	vmul.f32 $2.771281240e+01, v16;
	[tilespmem:s11+$0x20] =	vst v9;
	v9 =	vld [tilespmem:s28+$0x0]  }
0x199: {  	v16 =	vand.u32 $0xFFFF0000, v15;
	v15 =	vshll.u32 v15, $0x10;
	[tilespmem:s11+$0xFFFFFFD0] =	vst v7;
	v22 =	vadd.f32 v11, v8;
	v8 =	vld [tilespmem:s28+$0x10]  }
0x19a: {  	v19 =	vadd.f32 v14, v19;
	v13 =	vadd.f32 v16, v6;
	v14 =	vld [tilespmem:s28+$0x20];
	v7 =	vshll.u32 v12, $0x10;
	[tilespmem:s11+$0xFFFFFFC0] =	vst v5  }
0x19b: {  	s30 =	simm.s32 $0x4;
	v11 =	vld.idx.msk [tilespmem:v3+s12+$0x0 ss:$0x1], $0xffff;
	v15 =	vadd.f32 v15, v20;
	v16 =	vadd.f32 v7, v18;
	v7 =	vmul.f32 $2.771281240e+01, v21;
	[tilespmem:s11+$0xFFFFFFE0] =	vst v22  }
0x19c: {  	s13 =	simm.s32 $0x80;
	s14 =	simm.s32 $0x400;
	s2 =	smov.u32 s28;
	v5 =	vmul.f32 $2.771281240e+01, v10;
	v10 =	vand.u32 $0xFFFF0000, v12;
	v6 =	vmul.f32 $2.771281240e+01, v17;
	v12 =	vld.idx.msk [tilespmem:v3+s12+$0x10 ss:$0x1], $0xffff;
	[tilespmem:s11+$0xFFFFFFF0] =	vst v19  }
.LBB2_11:
0x19d: {  	s15 =	sand.u32 $0xC00, s14;
	s30 =	sadd.s32 $0x4, s30;
	v17 =	vld.idx.msk [tilespmem:v3+s12+$0x20 ss:$0x1], $0xffff;
	v18 =	vmul.f32 $2.771281240e+01, v9;
	[tilespmem:s28+$0x30] =	vst v16;
	s2 =	sadd.s32 $0x400, s2  }
0x19e: {  	s12 =	sand.u32 $0x40, s13;
	s15 =	sadd.s32 s15, s29;
	v9 =	vld [tilespmem:s2+$0xFFFFFFC0];
	p0 =	slt.u32 s30, $0x14;
	v19 =	vmul.f32 $2.771281240e+01, v8;
	[tilespmem:s11+$0x0] =	vst v13  }
0x19f: {  	s12 =	sadd.s32 s12, s15;
	v13 =	vld [tilespmem:s2+$0x30];
	v8 =	vmul.f32 $2.771281240e+01, v14;
	[tilespmem:s11+$0x10] =	vst v15;
	s11 =	smov.u32 s28;
	s28 =	smov.u32 s2  }
0x1a0: {  	v14 =	vld.idx.msk [tilespmem:v3+s12+$0x30 ss:$0x1], $0xffff  }
0x1a1: {  	v16 =	vand.u32 $0xFFFF0000, v11;
	v11 =	vshll.u32 v11, $0x10;
	v15 =	vld [tilespmem:s2+$0xFFFFFFD0];
	v8 =	vadd.f32 v10, v8  }
0x1a2: {  	v10 =	vadd.f32 v16, v4;
	v16 =	vand.u32 $0xFFFF0000, v12;
	v12 =	vshll.u32 v12, $0x10;
	v20 =	vld [tilespmem:s2+$0xFFFFFFE0]  }
0x1a3: {  	v22 =	vand.u32 $0xFFFF0000, v17;
	v17 =	vshll.u32 v17, $0x10;
	v4 =	vmul.f32 $2.771281240e+01, v9;
	v21 =	vld [tilespmem:s2+$0xFFFFFFF0];
	[tilespmem:s11+$0x20] =	vst v8  }
.Ltmp4:
0x1a4: {  	v11 =	vadd.f32 v11, v5;
	v23 =	vadd.f32 v16, v6;
	v9 =	vld [tilespmem:s2+$0x0];
	[tilespmem:s11+$0xFFFFFFC0] =	vst v10;
	(pc) =	sbr.rel @p0 .LBB2_11-.Ltmp4, $4  }
0x1a5: {  	v24 =	vadd.f32 v12, v7;
	v16 =	vmul.f32 $2.771281240e+01, v13;
	v13 =	vadd.f32 v22, v18;
	v8 =	vld [tilespmem:s2+$0x10]  }
0x1a6: {  	v10 =	vand.u32 $0xFFFF0000, v14;
	v7 =	vshll.u32 v14, $0x10;
	v5 =	vmul.f32 $2.771281240e+01, v15;
	v14 =	vld [tilespmem:s2+$0x20];
	[tilespmem:s11+$0xFFFFFFD0] =	vst v11  }
0x1a7: {  	v16 =	vadd.f32 v7, v16;
	v15 =	vadd.f32 v17, v19;
	v11 =	vld.idx.msk [tilespmem:v3+s12+$0x0 ss:$0x1], $0xffff;
	v6 =	vmul.f32 $2.771281240e+01, v20;
	[tilespmem:s11+$0xFFFFFFE0] =	vst v23  }
0x1a8: {  	s13 =	sadd.s32 $0x40, s13;
	s14 =	sadd.s32 $0x200, s14;
	v12 =	vld.idx.msk [tilespmem:v3+s12+$0x10 ss:$0x1], $0xffff;
	v7 =	vmul.f32 $2.771281240e+01, v21;
	[tilespmem:s11+$0xFFFFFFF0] =	vst v24  }
0x1a9: {  	_ =	sdelay $0x2  }
0x1aa: {  	v14 =	vmul.f32 $2.771281240e+01, v14  }
0x1ab: {  	v3 =	vld.idx.msk [tilespmem:v3+s12+$0x20 ss:$0x1], $0xffff;
	[tilespmem:s28+$0x30] =	vst v16  }
0x1ac: {  	[tilespmem:s11+$0x0] =	vst v13;
	v56 =	vand.u32 $0xFFFF0000, v11;
	v10 =	vadd.f32 v10, v14  }
0x1ad: {  	[tilespmem:s11+$0x10] =	vst v15;
	v57 =	vshll.u32 v11, $0x10;
	v4 =	vadd.f32 v56, v4  }
0x1ae: {  	s26 =	sadd.s32 $0x1, s26;
	v58 =	vand.u32 $0xFFFF0000, v12;
	v5 =	vadd.f32 v57, v5;
	[tilespmem:s28+$0x20] =	vst v10  }
0x1af: {  	v9 =	vmul.f32 $2.771281240e+01, v9;
	p0 =	sne.s32 s26, $0x20;
	v59 =	vshll.u32 v12, $0x10;
	v60 =	vadd.f32 v58, v6;
	[tilespmem:s28+$0xFFFFFFC0] =	vst v4  }
.Ltmp5:
0x1b0: {  	v61 =	vmul.f32 $2.771281240e+01, v8;
	v62 =	vand.u32 $0xFFFF0000, v3;
	v7 =	vadd.f32 v59, v7;
	[tilespmem:s28+$0xFFFFFFD0] =	vst v5;
	(pc) =	sbr.rel @p0 .LBB2_10-.Ltmp5, $4  }
0x1b1: {  	v3 =	vshll.u32 v3, $0x10;
	v63 =	vadd.f32 v62, v9;
	[tilespmem:s28+$0xFFFFFFE0] =	vst v60  }
0x1b2: {  	v3 =	vadd.f32 v3, v61;
	[tilespmem:s28+$0xFFFFFFF0] =	vst v7  }
0x1b3: {  	[tilespmem:s28+$0x0] =	vst v63  }
0x1b4: {  	s9 =	sadd.s32 $0x1, s9;
	[tilespmem:s28+$0x10] =	vst v3  }
0x1b5: {  	s24 =	simm.s32 $0x0  }
0x1b6: {  	s2 =	rddreg [dreg:$0x7];
	s9 =	simm.s32 $0x20;
	s26 =	simm.s32 $0x0  }
0x1b7: {  	[hbm4b:s2+s24] =	stream.linear.scatter [tilespmem:s31], [sflag:$0x4], $0x6000, $0x38;
	[tilespmem:$0x1E200] =	vst v63  }
.LBB2_14:
0x1b8: {  	s2 =	sshrl.u32 s9, $0x3  }
0x1b9: {  	s12 =	sand.u32 $0x7, s26;
	s11 =	smul.u32 $0x6000, s2  }
0x1ba: {  	s12 =	sshll.u32 s12, $0x9  }
0x1bb: {  	s11 =	sor.u32 s12, s11  }
0x1bc: {  	s11 =	sshra.s32 s11, $0x2  }
0x1bd: {  	s11 =	sadd.s32 $0x12240, s11  }
0x1be: {  	v4 =	vld [tilespmem:s11+$0xFFFFFFC0]  }
0x1bf: {  	s13 =	sshll.u32 s9, $0x7;
	v5 =	vld [tilespmem:s11+$0x30]  }
0x1c0: {  	s13 =	sand.u32 $0x380, s13;
	s2 =	smul.u32 $0x3000, s2;
	v7 =	vld [tilespmem:s11+$0xFFFFFFD0]  }
0x1c1: {  	v3 =	vmov s13;
	v8 =	vld [tilespmem:s11+$0xFFFFFFE0]  }
0x1c2: {  	s2 =	sshra.s32 s2, $0x2;
	v9 =	vld [tilespmem:s11+$0xFFFFFFF0]  }
0x1c3: {  	s14 =	sand.u32 $0xC00, s24;
	s29 =	sor.u32 $0x200, s2;
	v10 =	vld [tilespmem:s11+$0x0]  }
0x1c4: {  	s15 =	sand.u32 $0x40, s24;
	s2 =	sadd.s32 s14, s29;
	v11 =	vld [tilespmem:s11+$0x10]  }
0x1c5: {  	s2 =	sadd.s32 s15, s2;
	v12 =	vld [tilespmem:s11+$0x20]  }
0x1c6: {  	v6 =	vld.idx.msk [tilespmem:v3+s2+$0x30 ss:$0x1], $0xffff  }
0x1c7: {  	v13 =	vld.idx.msk [tilespmem:v3+s2+$0x0 ss:$0x1], $0xffff  }
0x1c8: {  	v14 =	vld.idx.msk [tilespmem:v3+s2+$0x10 ss:$0x1], $0xffff  }
0x1c9: {  	s13 =	simm.s32 $0x200;
	s28 =	sadd.s32 $0x400, s11;
	v15 =	vld.idx.msk [tilespmem:v3+s2+$0x20 ss:$0x1], $0xffff;
	v4 =	vmul.f32 $2.771281240e+01, v4  }
0x1ca: {  	s12 =	sand.u32 $0xC00, s13;
	s14 =	simm.s32 $0x40;
	v18 =	vld [tilespmem:s28+$0x30];
	v5 =	vmul.f32 $2.771281240e+01, v5;
	v7 =	vmul.f32 $2.771281240e+01, v7  }
0x1cb: {  	s12 =	sadd.s32 s12, s29;
	s15 =	sand.u32 $0x40, s14;
	v16 =	vld [tilespmem:s28+$0xFFFFFFC0];
	v8 =	vmul.f32 $2.771281240e+01, v8;
	v19 =	vmul.f32 $2.771281240e+01, v9  }
0x1cc: {  	s12 =	sadd.s32 s15, s12;
	v21 =	vld [tilespmem:s28+$0xFFFFFFF0];
	v9 =	vmul.f32 $2.771281240e+01, v12;
	v17 =	vand.u32 $0xFFFF0000, v6;
	v6 =	vshll.u32 v6, $0x10  }
0x1cd: {  	v12 =	vld.idx.msk [tilespmem:v3+s12+$0x30 ss:$0x1], $0xffff;
	v20 =	vmul.f32 $2.771281240e+01, v11;
	v11 =	vand.u32 $0xFFFF0000, v13;
	v5 =	vadd.f32 v6, v5  }
0x1ce: {  	v13 =	vshll.u32 v13, $0x10;
	v6 =	vmul.f32 $2.771281240e+01, v10;
	v10 =	vld [tilespmem:s28+$0xFFFFFFD0];
	v9 =	vadd.f32 v17, v9  }
0x1cf: {  	v18 =	vmul.f32 $2.771281240e+01, v18;
	v17 =	vld [tilespmem:s28+$0xFFFFFFE0];
	v7 =	vadd.f32 v13, v7;
	[tilespmem:s11+$0x30] =	vst v5;
	v5 =	vadd.f32 v11, v4  }
0x1d0: {  	v11 =	vand.u32 $0xFFFF0000, v14;
	v14 =	vshll.u32 v14, $0x10;
	v4 =	vmul.f32 $2.771281240e+01, v16;
	[tilespmem:s11+$0x20] =	vst v9;
	v9 =	vld [tilespmem:s28+$0x0]  }
0x1d1: {  	v16 =	vand.u32 $0xFFFF0000, v15;
	v15 =	vshll.u32 v15, $0x10;
	[tilespmem:s11+$0xFFFFFFD0] =	vst v7;
	v22 =	vadd.f32 v11, v8;
	v8 =	vld [tilespmem:s28+$0x10]  }
0x1d2: {  	v19 =	vadd.f32 v14, v19;
	v13 =	vadd.f32 v16, v6;
	v14 =	vld [tilespmem:s28+$0x20];
	v7 =	vshll.u32 v12, $0x10;
	[tilespmem:s11+$0xFFFFFFC0] =	vst v5  }
0x1d3: {  	s30 =	simm.s32 $0x4;
	v11 =	vld.idx.msk [tilespmem:v3+s12+$0x0 ss:$0x1], $0xffff;
	v15 =	vadd.f32 v15, v20;
	v16 =	vadd.f32 v7, v18;
	v7 =	vmul.f32 $2.771281240e+01, v21;
	[tilespmem:s11+$0xFFFFFFE0] =	vst v22  }
0x1d4: {  	s13 =	simm.s32 $0x80;
	s14 =	simm.s32 $0x400;
	s2 =	smov.u32 s28;
	v5 =	vmul.f32 $2.771281240e+01, v10;
	v10 =	vand.u32 $0xFFFF0000, v12;
	v6 =	vmul.f32 $2.771281240e+01, v17;
	v12 =	vld.idx.msk [tilespmem:v3+s12+$0x10 ss:$0x1], $0xffff;
	[tilespmem:s11+$0xFFFFFFF0] =	vst v19  }
.LBB2_15:
0x1d5: {  	s15 =	sand.u32 $0xC00, s14;
	s30 =	sadd.s32 $0x4, s30;
	v17 =	vld.idx.msk [tilespmem:v3+s12+$0x20 ss:$0x1], $0xffff;
	v18 =	vmul.f32 $2.771281240e+01, v9;
	[tilespmem:s28+$0x30] =	vst v16;
	s2 =	sadd.s32 $0x400, s2  }
0x1d6: {  	s12 =	sand.u32 $0x40, s13;
	s15 =	sadd.s32 s15, s29;
	v9 =	vld [tilespmem:s2+$0xFFFFFFC0];
	p0 =	slt.u32 s30, $0x14;
	v19 =	vmul.f32 $2.771281240e+01, v8;
	[tilespmem:s11+$0x0] =	vst v13  }
0x1d7: {  	s12 =	sadd.s32 s12, s15;
	v13 =	vld [tilespmem:s2+$0x30];
	v8 =	vmul.f32 $2.771281240e+01, v14;
	[tilespmem:s11+$0x10] =	vst v15;
	s11 =	smov.u32 s28;
	s28 =	smov.u32 s2  }
0x1d8: {  	v14 =	vld.idx.msk [tilespmem:v3+s12+$0x30 ss:$0x1], $0xffff  }
0x1d9: {  	v16 =	vand.u32 $0xFFFF0000, v11;
	v11 =	vshll.u32 v11, $0x10;
	v15 =	vld [tilespmem:s2+$0xFFFFFFD0];
	v8 =	vadd.f32 v10, v8  }
0x1da: {  	v10 =	vadd.f32 v16, v4;
	v16 =	vand.u32 $0xFFFF0000, v12;
	v12 =	vshll.u32 v12, $0x10;
	v20 =	vld [tilespmem:s2+$0xFFFFFFE0]  }
0x1db: {  	v22 =	vand.u32 $0xFFFF0000, v17;
	v17 =	vshll.u32 v17, $0x10;
	v4 =	vmul.f32 $2.771281240e+01, v9;
	v21 =	vld [tilespmem:s2+$0xFFFFFFF0];
	[tilespmem:s11+$0x20] =	vst v8  }
.Ltmp6:
0x1dc: {  	v11 =	vadd.f32 v11, v5;
	v23 =	vadd.f32 v16, v6;
	v9 =	vld [tilespmem:s2+$0x0];
	[tilespmem:s11+$0xFFFFFFC0] =	vst v10;
	(pc) =	sbr.rel @p0 .LBB2_15-.Ltmp6, $4  }
0x1dd: {  	v24 =	vadd.f32 v12, v7;
	v16 =	vmul.f32 $2.771281240e+01, v13;
	v13 =	vadd.f32 v22, v18;
	v8 =	vld [tilespmem:s2+$0x10]  }
0x1de: {  	v10 =	vand.u32 $0xFFFF0000, v14;
	v7 =	vshll.u32 v14, $0x10;
	v5 =	vmul.f32 $2.771281240e+01, v15;
	v14 =	vld [tilespmem:s2+$0x20];
	[tilespmem:s11+$0xFFFFFFD0] =	vst v11  }
0x1df: {  	v16 =	vadd.f32 v7, v16;
	v15 =	vadd.f32 v17, v19;
	v11 =	vld.idx.msk [tilespmem:v3+s12+$0x0 ss:$0x1], $0xffff;
	v6 =	vmul.f32 $2.771281240e+01, v20;
	[tilespmem:s11+$0xFFFFFFE0] =	vst v23  }
0x1e0: {  	s13 =	sadd.s32 $0x40, s13;
	s14 =	sadd.s32 $0x200, s14;
	v12 =	vld.idx.msk [tilespmem:v3+s12+$0x10 ss:$0x1], $0xffff;
	v7 =	vmul.f32 $2.771281240e+01, v21;
	[tilespmem:s11+$0xFFFFFFF0] =	vst v24  }
0x1e1: {  	_ =	sdelay $0x2  }
0x1e2: {  	v14 =	vmul.f32 $2.771281240e+01, v14  }
0x1e3: {  	v3 =	vld.idx.msk [tilespmem:v3+s12+$0x20 ss:$0x1], $0xffff;
	[tilespmem:s28+$0x30] =	vst v16  }
0x1e4: {  	[tilespmem:s11+$0x0] =	vst v13;
	v56 =	vand.u32 $0xFFFF0000, v11;
	v10 =	vadd.f32 v10, v14  }
0x1e5: {  	[tilespmem:s11+$0x10] =	vst v15;
	v57 =	vshll.u32 v11, $0x10;
	v4 =	vadd.f32 v56, v4  }
0x1e6: {  	s9 =	sadd.s32 $0x1, s9;
	v58 =	vand.u32 $0xFFFF0000, v12;
	v5 =	vadd.f32 v57, v5;
	[tilespmem:s28+$0x20] =	vst v10  }
0x1e7: {  	v9 =	vmul.f32 $2.771281240e+01, v9;
	p0 =	sne.s32 s9, $0x40;
	v59 =	vshll.u32 v12, $0x10;
	v60 =	vadd.f32 v58, v6;
	[tilespmem:s28+$0xFFFFFFC0] =	vst v4  }
.Ltmp7:
0x1e8: {  	v61 =	vmul.f32 $2.771281240e+01, v8;
	v62 =	vand.u32 $0xFFFF0000, v3;
	v7 =	vadd.f32 v59, v7;
	[tilespmem:s28+$0xFFFFFFD0] =	vst v5;
	(pc) =	sbr.rel @p0 .LBB2_14-.Ltmp7, $4  }
0x1e9: {  	v3 =	vshll.u32 v3, $0x10;
	v63 =	vadd.f32 v62, v9;
	[tilespmem:s28+$0xFFFFFFE0] =	vst v60  }
0x1ea: {  	v3 =	vadd.f32 v3, v61;
	[tilespmem:s28+$0xFFFFFFF0] =	vst v7  }
0x1eb: {  	[tilespmem:s28+$0x0] =	vst v63  }
0x1ec: {  	s26 =	sadd.s32 $0x1, s26;
	[tilespmem:s28+$0x10] =	vst v3  }
0x1ed: {  	s24 =	simm.s32 $0x0;
	s2 =	rddreg [dreg:$0x8]  }
0x1ee: {  	[hbm4b:s2+s24] =	stream.linear.scatter [tilespmem:s10], [sflag:$0x4], $0x6000, $0x38;
	[tilespmem:$0x1E200] =	vst v63  }
0x1ef: {  	_ =	swait.ge [sflag:s22], $0x6000  }
0x1f0: {  	[sflag:s22] =	ssyncset.done $0x0  }
0x1f1: {  	[sflag:s22] =	ssyncadd.s32 $0xFFFFA000  }
0x1f2: {  	_ =	swait.ge [sflag:s22], $0x6000  }
0x1f3: {  	[sflag:s22] =	ssyncset.done $0x0  }
0x1f4: {  	[sflag:s22] =	ssyncadd.s32 $0xFFFFA000  }
0x1f5: {  	v3 =	vld [tilespmem:$0x180];
	_ =	sdelay $0x4  }
0x1f6: {  	v4 =	vshrl.u32 v3, $0x3  }
0x1f7: {  	v4 =	vmul.u32 $0x30, v4  }
0x1f8: {  	v3 =	vand.u32 $0x7, v3  }
0x1f9: {  	v3 =	vor.u32 v3, v4  }
0x1fa: {  	v4 =	vperm.xlane v3, v0;
	_ =	sdelay $0x1  }
0x1fb: {  	v4 =	vadd.s32 v1, v4;
	_ =	sdelay $0x3  }
0x1fc: {  	v3 =	vperm.xlane v3, v2  }
0x1fd: {  	[tilespmem:s31], [sflag:$0x2] =	stream.indirect_vreg.gather [hbm4b:s1+s24], $0x80, v4, vm0, $0xb8;
	[tilespmem:$0x1E200] =	vst v63  }
0x1fe: {  	s9 =	simm.s32 $0x12A00;
	v3 =	vadd.s32 v1, v3  }
0x1ff: {  	[tilespmem:s9], [sflag:$0x2] =	stream.indirect_vreg.gather [hbm4b:s7+s24], $0x80, v4, vm0, $0xb8;
	[tilespmem:$0x1E200] =	vst v63  }
0x200: {  	s11 =	simm.s32 $0x13200  }
0x201: {  	[tilespmem:s11], [sflag:$0x2] =	stream.indirect_vreg.gather [hbm4b:s8+s24], $0x80, v4, vm0, $0xb8;
	[tilespmem:$0x1E200] =	vst v63  }
0x202: {  	s12 =	simm.s32 $0x13A00  }
0x203: {  	[tilespmem:s12], [sflag:$0x2] =	stream.indirect_vreg.gather [hbm4b:s1+s24], $0x80, v3, vm0, $0xb8;
	[tilespmem:$0x1E200] =	vst v63  }
0x204: {  	s13 =	simm.s32 $0x14200  }
0x205: {  	[tilespmem:s13], [sflag:$0x2] =	stream.indirect_vreg.gather [hbm4b:s7+s24], $0x80, v3, vm0, $0xb8;
	[tilespmem:$0x1E200] =	vst v63  }
0x206: {  	s14 =	simm.s32 $0x14A00  }
0x207: {  	[tilespmem:s14], [sflag:$0x2] =	stream.indirect_vreg.gather [hbm4b:s8+s24], $0x80, v3, vm0, $0xb8;
	[tilespmem:$0x1E200] =	vst v63  }
0x208: {  	v3 =	vld [tilespmem:$0x190];
	_ =	sdelay $0x4  }
0x209: {  	v61 =	vshrl.u32 v3, $0x3  }
0x20a: {  	v4 =	vmul.u32 $0x30, v61  }
0x20b: {  	v3 =	vand.u32 $0x7, v3  }
0x20c: {  	v3 =	vor.u32 v3, v4  }
0x20d: {  	v4 =	vperm.xlane v3, v0;
	_ =	sdelay $0x1  }
0x20e: {  	v4 =	vadd.s32 v1, v4;
	_ =	sdelay $0x3  }
0x20f: {  	s15 =	simm.s32 $0x15200;
	v3 =	vperm.xlane v3, v2  }
0x210: {  	[tilespmem:s15], [sflag:$0x2] =	stream.indirect_vreg.gather [hbm4b:s1+s24], $0x80, v4, vm0, $0xb8;
	[tilespmem:$0x1E200] =	vst v63  }
0x211: {  	s26 =	simm.s32 $0x15A00;
	v3 =	vadd.s32 v1, v3  }
0x212: {  	[tilespmem:s26], [sflag:$0x2] =	stream.indirect_vreg.gather [hbm4b:s7+s24], $0x80, v4, vm0, $0xb8;
	[tilespmem:$0x1E200] =	vst v63  }
0x213: {  	s28 =	simm.s32 $0x16200  }
0x214: {  	[tilespmem:s28], [sflag:$0x2] =	stream.indirect_vreg.gather [hbm4b:s8+s24], $0x80, v4, vm0, $0xb8;
	[tilespmem:$0x1E200] =	vst v63  }
0x215: {  	s29 =	simm.s32 $0x16A00  }
0x216: {  	[tilespmem:s29], [sflag:$0x2] =	stream.indirect_vreg.gather [hbm4b:s1+s24], $0x80, v3, vm0, $0xb8;
	[tilespmem:$0x1E200] =	vst v63  }
0x217: {  	s30 =	simm.s32 $0x17200  }
0x218: {  	[tilespmem:s30], [sflag:$0x2] =	stream.indirect_vreg.gather [hbm4b:s7+s24], $0x80, v3, vm0, $0xb8;
	[tilespmem:$0x1E200] =	vst v63  }
0x219: {  	s9 =	simm.s32 $0x17A00  }
0x21a: {  	[tilespmem:s9], [sflag:$0x2] =	stream.indirect_vreg.gather [hbm4b:s8+s24], $0x80, v3, vm0, $0xb8;
	[tilespmem:$0x1E200] =	vst v63  }
0x21b: {  	v3 =	vld [tilespmem:$0x1A0];
	_ =	sdelay $0x4  }
0x21c: {  	v62 =	vshrl.u32 v3, $0x3  }
0x21d: {  	v4 =	vmul.u32 $0x30, v62  }
0x21e: {  	v3 =	vand.u32 $0x7, v3  }
0x21f: {  	v3 =	vor.u32 v3, v4  }
0x220: {  	v4 =	vperm.xlane v3, v0;
	_ =	sdelay $0x1  }
0x221: {  	v4 =	vadd.s32 v1, v4;
	_ =	sdelay $0x3  }
0x222: {  	v3 =	vperm.xlane v3, v2  }
0x223: {  	[tilespmem:s10], [sflag:$0x2] =	stream.indirect_vreg.gather [hbm4b:s1+s24], $0x80, v4, vm0, $0xb8;
	[tilespmem:$0x1E200] =	vst v63  }
0x224: {  	s11 =	simm.s32 $0x18A00;
	v3 =	vadd.s32 v1, v3  }
0x225: {  	[tilespmem:s11], [sflag:$0x2] =	stream.indirect_vreg.gather [hbm4b:s7+s24], $0x80, v4, vm0, $0xb8;
	[tilespmem:$0x1E200] =	vst v63  }
0x226: {  	s12 =	simm.s32 $0x19200  }
0x227: {  	[tilespmem:s12], [sflag:$0x2] =	stream.indirect_vreg.gather [hbm4b:s8+s24], $0x80, v4, vm0, $0xb8;
	[tilespmem:$0x1E200] =	vst v63  }
0x228: {  	s13 =	simm.s32 $0x19A00  }
0x229: {  	[tilespmem:s13], [sflag:$0x2] =	stream.indirect_vreg.gather [hbm4b:s1+s24], $0x80, v3, vm0, $0xb8;
	[tilespmem:$0x1E200] =	vst v63  }
0x22a: {  	s14 =	simm.s32 $0x1A200  }
0x22b: {  	[tilespmem:s14], [sflag:$0x2] =	stream.indirect_vreg.gather [hbm4b:s7+s24], $0x80, v3, vm0, $0xb8;
	[tilespmem:$0x1E200] =	vst v63  }
0x22c: {  	s15 =	simm.s32 $0x1AA00  }
0x22d: {  	[tilespmem:s15], [sflag:$0x2] =	stream.indirect_vreg.gather [hbm4b:s8+s24], $0x80, v3, vm0, $0xb8;
	[tilespmem:$0x1E200] =	vst v63  }
0x22e: {  	v3 =	vld [tilespmem:$0x1B0];
	_ =	sdelay $0x4  }
0x22f: {  	v63 =	vshrl.u32 v3, $0x3  }
0x230: {  	v4 =	vmul.u32 $0x30, v63  }
0x231: {  	v3 =	vand.u32 $0x7, v3  }
0x232: {  	v3 =	vor.u32 v3, v4  }
0x233: {  	v4 =	vperm.xlane v3, v0;
	_ =	sdelay $0x1  }
0x234: {  	v4 =	vadd.s32 v1, v4;
	_ =	sdelay $0x3  }
0x235: {  	s26 =	simm.s32 $0x1B200;
	v3 =	vperm.xlane v3, v2  }
0x236: {  	[tilespmem:s26], [sflag:$0x2] =	stream.indirect_vreg.gather [hbm4b:s1+s24], $0x80, v4, vm0, $0xb8;
	[tilespmem:$0x1E200] =	vst v63  }
0x237: {  	s28 =	simm.s32 $0x1BA00;
	v3 =	vadd.s32 v1, v3  }
0x238: {  	[tilespmem:s28], [sflag:$0x2] =	stream.indirect_vreg.gather [hbm4b:s7+s24], $0x80, v4, vm0, $0xb8;
	[tilespmem:$0x1E200] =	vst v63  }
0x239: {  	s29 =	simm.s32 $0x1C200  }
0x23a: {  	[tilespmem:s29], [sflag:$0x2] =	stream.indirect_vreg.gather [hbm4b:s8+s24], $0x80, v4, vm0, $0xb8;
	[tilespmem:$0x1E200] =	vst v63  }
0x23b: {  	s30 =	simm.s32 $0x1CA00  }
0x23c: {  	[tilespmem:s30], [sflag:$0x2] =	stream.indirect_vreg.gather [hbm4b:s1+s24], $0x80, v3, vm0, $0xb8;
	[tilespmem:$0x1E200] =	vst v63  }
0x23d: {  	_ = 	snop  }
0x23e: {  	[tilespmem:s18], [sflag:$0x2] =	stream.indirect_vreg.gather [hbm4b:s7+s24], $0x80, v3, vm0, $0xb8;
	[tilespmem:$0x1E200] =	vst v63  }
0x23f: {  	_ = 	snop  }
0x240: {  	[tilespmem:s16], [sflag:$0x2] =	stream.indirect_vreg.gather [hbm4b:s8+s24], $0x80, v3, vm0, $0xb8;
	[tilespmem:$0x1E200] =	vst v63  }
0x241: {  	_ =	swait.ge [sflag:s4], $0xC000  }
0x242: {  	[sflag:s4] =	ssyncset.done $0x0  }
0x243: {  	s9 =	simm.s32 $0x0;
	s26 =	simm.s32 $0x0;
	[sflag:s4] =	ssyncadd.s32 $0xFFFF4000  }
.LBB2_18:
0x244: {  	s2 =	sshrl.u32 s26, $0x3  }
0x245: {  	s12 =	sand.u32 $0x7, s9;
	s11 =	smul.u32 $0x6000, s2  }
0x246: {  	s12 =	sshll.u32 s12, $0x9  }
0x247: {  	s11 =	sor.u32 s12, s11  }
0x248: {  	s11 =	sshra.s32 s11, $0x2  }
0x249: {  	s11 =	sadd.s32 $0x6240, s11  }
0x24a: {  	v4 =	vld [tilespmem:s11+$0xFFFFFFC0]  }
0x24b: {  	s13 =	sshll.u32 s26, $0x7;
	v5 =	vld [tilespmem:s11+$0x30]  }
0x24c: {  	s13 =	sand.u32 $0x380, s13;
	s2 =	smul.u32 $0x3000, s2;
	v7 =	vld [tilespmem:s11+$0xFFFFFFD0]  }
0x24d: {  	v3 =	vmov s13;
	v8 =	vld [tilespmem:s11+$0xFFFFFFE0]  }
0x24e: {  	s2 =	sshra.s32 s2, $0x2;
	v9 =	vld [tilespmem:s11+$0xFFFFFFF0]  }
0x24f: {  	s14 =	sand.u32 $0xC00, s24;
	s29 =	sor.u32 $0x200, s2;
	v10 =	vld [tilespmem:s11+$0x0]  }
0x250: {  	s15 =	sand.u32 $0x40, s24;
	s2 =	sadd.s32 s14, s29;
	v11 =	vld [tilespmem:s11+$0x10]  }
0x251: {  	s2 =	sadd.s32 s15, s2;
	v12 =	vld [tilespmem:s11+$0x20]  }
0x252: {  	v6 =	vld.idx.msk [tilespmem:v3+s2+$0x30 ss:$0x1], $0xffff  }
0x253: {  	v13 =	vld.idx.msk [tilespmem:v3+s2+$0x0 ss:$0x1], $0xffff  }
0x254: {  	v14 =	vld.idx.msk [tilespmem:v3+s2+$0x10 ss:$0x1], $0xffff  }
0x255: {  	s13 =	simm.s32 $0x200;
	s28 =	sadd.s32 $0x400, s11;
	v15 =	vld.idx.msk [tilespmem:v3+s2+$0x20 ss:$0x1], $0xffff;
	v4 =	vmul.f32 $2.771281240e+01, v4  }
0x256: {  	s12 =	sand.u32 $0xC00, s13;
	s14 =	simm.s32 $0x40;
	v18 =	vld [tilespmem:s28+$0x30];
	v5 =	vmul.f32 $2.771281240e+01, v5;
	v7 =	vmul.f32 $2.771281240e+01, v7  }
0x257: {  	s12 =	sadd.s32 s12, s29;
	s15 =	sand.u32 $0x40, s14;
	v16 =	vld [tilespmem:s28+$0xFFFFFFC0];
	v8 =	vmul.f32 $2.771281240e+01, v8;
	v19 =	vmul.f32 $2.771281240e+01, v9  }
0x258: {  	s12 =	sadd.s32 s15, s12;
	v21 =	vld [tilespmem:s28+$0xFFFFFFF0];
	v9 =	vmul.f32 $2.771281240e+01, v12;
	v17 =	vand.u32 $0xFFFF0000, v6;
	v6 =	vshll.u32 v6, $0x10  }
0x259: {  	v12 =	vld.idx.msk [tilespmem:v3+s12+$0x30 ss:$0x1], $0xffff;
	v20 =	vmul.f32 $2.771281240e+01, v11;
	v11 =	vand.u32 $0xFFFF0000, v13;
	v5 =	vadd.f32 v6, v5  }
0x25a: {  	v13 =	vshll.u32 v13, $0x10;
	v6 =	vmul.f32 $2.771281240e+01, v10;
	v10 =	vld [tilespmem:s28+$0xFFFFFFD0];
	v9 =	vadd.f32 v17, v9  }
0x25b: {  	v18 =	vmul.f32 $2.771281240e+01, v18;
	v17 =	vld [tilespmem:s28+$0xFFFFFFE0];
	v7 =	vadd.f32 v13, v7;
	[tilespmem:s11+$0x30] =	vst v5;
	v5 =	vadd.f32 v11, v4  }
0x25c: {  	v11 =	vand.u32 $0xFFFF0000, v14;
	v14 =	vshll.u32 v14, $0x10;
	v4 =	vmul.f32 $2.771281240e+01, v16;
	[tilespmem:s11+$0x20] =	vst v9;
	v9 =	vld [tilespmem:s28+$0x0]  }
0x25d: {  	v16 =	vand.u32 $0xFFFF0000, v15;
	v15 =	vshll.u32 v15, $0x10;
	[tilespmem:s11+$0xFFFFFFD0] =	vst v7;
	v22 =	vadd.f32 v11, v8;
	v8 =	vld [tilespmem:s28+$0x10]  }
0x25e: {  	v19 =	vadd.f32 v14, v19;
	v13 =	vadd.f32 v16, v6;
	v14 =	vld [tilespmem:s28+$0x20];
	v7 =	vshll.u32 v12, $0x10;
	[tilespmem:s11+$0xFFFFFFC0] =	vst v5  }
0x25f: {  	s30 =	simm.s32 $0x4;
	v11 =	vld.idx.msk [tilespmem:v3+s12+$0x0 ss:$0x1], $0xffff;
	v15 =	vadd.f32 v15, v20;
	v16 =	vadd.f32 v7, v18;
	v7 =	vmul.f32 $2.771281240e+01, v21;
	[tilespmem:s11+$0xFFFFFFE0] =	vst v22  }
0x260: {  	s13 =	simm.s32 $0x80;
	s14 =	simm.s32 $0x400;
	s2 =	smov.u32 s28;
	v5 =	vmul.f32 $2.771281240e+01, v10;
	v10 =	vand.u32 $0xFFFF0000, v12;
	v6 =	vmul.f32 $2.771281240e+01, v17;
	v12 =	vld.idx.msk [tilespmem:v3+s12+$0x10 ss:$0x1], $0xffff;
	[tilespmem:s11+$0xFFFFFFF0] =	vst v19  }
.LBB2_19:
0x261: {  	s15 =	sand.u32 $0xC00, s14;
	s30 =	sadd.s32 $0x4, s30;
	v17 =	vld.idx.msk [tilespmem:v3+s12+$0x20 ss:$0x1], $0xffff;
	v18 =	vmul.f32 $2.771281240e+01, v9;
	[tilespmem:s28+$0x30] =	vst v16;
	s2 =	sadd.s32 $0x400, s2  }
0x262: {  	s12 =	sand.u32 $0x40, s13;
	s15 =	sadd.s32 s15, s29;
	v9 =	vld [tilespmem:s2+$0xFFFFFFC0];
	p0 =	slt.u32 s30, $0x14;
	v19 =	vmul.f32 $2.771281240e+01, v8;
	[tilespmem:s11+$0x0] =	vst v13  }
0x263: {  	s12 =	sadd.s32 s12, s15;
	v13 =	vld [tilespmem:s2+$0x30];
	v8 =	vmul.f32 $2.771281240e+01, v14;
	[tilespmem:s11+$0x10] =	vst v15;
	s11 =	smov.u32 s28;
	s28 =	smov.u32 s2  }
0x264: {  	v14 =	vld.idx.msk [tilespmem:v3+s12+$0x30 ss:$0x1], $0xffff  }
0x265: {  	v16 =	vand.u32 $0xFFFF0000, v11;
	v11 =	vshll.u32 v11, $0x10;
	v15 =	vld [tilespmem:s2+$0xFFFFFFD0];
	v8 =	vadd.f32 v10, v8  }
0x266: {  	v10 =	vadd.f32 v16, v4;
	v16 =	vand.u32 $0xFFFF0000, v12;
	v12 =	vshll.u32 v12, $0x10;
	v20 =	vld [tilespmem:s2+$0xFFFFFFE0]  }
0x267: {  	v22 =	vand.u32 $0xFFFF0000, v17;
	v17 =	vshll.u32 v17, $0x10;
	v4 =	vmul.f32 $2.771281240e+01, v9;
	v21 =	vld [tilespmem:s2+$0xFFFFFFF0];
	[tilespmem:s11+$0x20] =	vst v8  }
.Ltmp8:
0x268: {  	v11 =	vadd.f32 v11, v5;
	v23 =	vadd.f32 v16, v6;
	v9 =	vld [tilespmem:s2+$0x0];
	[tilespmem:s11+$0xFFFFFFC0] =	vst v10;
	(pc) =	sbr.rel @p0 .LBB2_19-.Ltmp8, $4  }
0x269: {  	v24 =	vadd.f32 v12, v7;
	v16 =	vmul.f32 $2.771281240e+01, v13;
	v13 =	vadd.f32 v22, v18;
	v8 =	vld [tilespmem:s2+$0x10]  }
0x26a: {  	v10 =	vand.u32 $0xFFFF0000, v14;
	v7 =	vshll.u32 v14, $0x10;
	v5 =	vmul.f32 $2.771281240e+01, v15;
	v14 =	vld [tilespmem:s2+$0x20];
	[tilespmem:s11+$0xFFFFFFD0] =	vst v11  }
0x26b: {  	v16 =	vadd.f32 v7, v16;
	v15 =	vadd.f32 v17, v19;
	v11 =	vld.idx.msk [tilespmem:v3+s12+$0x0 ss:$0x1], $0xffff;
	v6 =	vmul.f32 $2.771281240e+01, v20;
	[tilespmem:s11+$0xFFFFFFE0] =	vst v23  }
0x26c: {  	s13 =	sadd.s32 $0x40, s13;
	s14 =	sadd.s32 $0x200, s14;
	v12 =	vld.idx.msk [tilespmem:v3+s12+$0x10 ss:$0x1], $0xffff;
	v7 =	vmul.f32 $2.771281240e+01, v21;
	[tilespmem:s11+$0xFFFFFFF0] =	vst v24  }
0x26d: {  	_ =	sdelay $0x2  }
0x26e: {  	v14 =	vmul.f32 $2.771281240e+01, v14  }
0x26f: {  	v3 =	vld.idx.msk [tilespmem:v3+s12+$0x20 ss:$0x1], $0xffff;
	[tilespmem:s28+$0x30] =	vst v16  }
0x270: {  	[tilespmem:s11+$0x0] =	vst v13;
	v56 =	vand.u32 $0xFFFF0000, v11;
	v10 =	vadd.f32 v10, v14  }
0x271: {  	[tilespmem:s11+$0x10] =	vst v15;
	v57 =	vshll.u32 v11, $0x10;
	v4 =	vadd.f32 v56, v4  }
0x272: {  	s26 =	sadd.s32 $0x1, s26;
	v58 =	vand.u32 $0xFFFF0000, v12;
	v5 =	vadd.f32 v57, v5;
	[tilespmem:s28+$0x20] =	vst v10  }
0x273: {  	v9 =	vmul.f32 $2.771281240e+01, v9;
	p0 =	sne.s32 s26, $0x20;
	v59 =	vshll.u32 v12, $0x10;
	v60 =	vadd.f32 v58, v6;
	[tilespmem:s28+$0xFFFFFFC0] =	vst v4  }
.Ltmp9:
0x274: {  	v61 =	vmul.f32 $2.771281240e+01, v8;
	v62 =	vand.u32 $0xFFFF0000, v3;
	v7 =	vadd.f32 v59, v7;
	[tilespmem:s28+$0xFFFFFFD0] =	vst v5;
	(pc) =	sbr.rel @p0 .LBB2_18-.Ltmp9, $4  }
0x275: {  	v3 =	vshll.u32 v3, $0x10;
	v63 =	vadd.f32 v62, v9;
	[tilespmem:s28+$0xFFFFFFE0] =	vst v60  }
0x276: {  	v3 =	vadd.f32 v3, v61;
	[tilespmem:s28+$0xFFFFFFF0] =	vst v7  }
0x277: {  	[tilespmem:s28+$0x0] =	vst v63  }
0x278: {  	s9 =	sadd.s32 $0x1, s9;
	[tilespmem:s28+$0x10] =	vst v3  }
0x279: {  	s24 =	simm.s32 $0x0  }
0x27a: {  	s2 =	rddreg [dreg:$0x9];
	s9 =	simm.s32 $0x20;
	s26 =	simm.s32 $0x0  }
0x27b: {  	[hbm4b:s2+s24] =	stream.linear.scatter [tilespmem:s19], [sflag:$0x3], $0x6000, $0x38;
	[tilespmem:$0x1E200] =	vst v63  }
.LBB2_22:
0x27c: {  	s2 =	sshrl.u32 s9, $0x3  }
0x27d: {  	s12 =	sand.u32 $0x7, s26;
	s11 =	smul.u32 $0x6000, s2  }
0x27e: {  	s12 =	sshll.u32 s12, $0x9  }
0x27f: {  	s11 =	sor.u32 s12, s11  }
0x280: {  	s11 =	sshra.s32 s11, $0x2  }
0x281: {  	s11 =	sadd.s32 $0x6240, s11  }
0x282: {  	v4 =	vld [tilespmem:s11+$0xFFFFFFC0]  }
0x283: {  	s13 =	sshll.u32 s9, $0x7;
	v5 =	vld [tilespmem:s11+$0x30]  }
0x284: {  	s13 =	sand.u32 $0x380, s13;
	s2 =	smul.u32 $0x3000, s2;
	v7 =	vld [tilespmem:s11+$0xFFFFFFD0]  }
0x285: {  	v3 =	vmov s13;
	v8 =	vld [tilespmem:s11+$0xFFFFFFE0]  }
0x286: {  	s2 =	sshra.s32 s2, $0x2;
	v9 =	vld [tilespmem:s11+$0xFFFFFFF0]  }
0x287: {  	s14 =	sand.u32 $0xC00, s24;
	s29 =	sor.u32 $0x200, s2;
	v10 =	vld [tilespmem:s11+$0x0]  }
0x288: {  	s15 =	sand.u32 $0x40, s24;
	s2 =	sadd.s32 s14, s29;
	v11 =	vld [tilespmem:s11+$0x10]  }
0x289: {  	s2 =	sadd.s32 s15, s2;
	v12 =	vld [tilespmem:s11+$0x20]  }
0x28a: {  	v6 =	vld.idx.msk [tilespmem:v3+s2+$0x30 ss:$0x1], $0xffff  }
0x28b: {  	v13 =	vld.idx.msk [tilespmem:v3+s2+$0x0 ss:$0x1], $0xffff  }
0x28c: {  	v14 =	vld.idx.msk [tilespmem:v3+s2+$0x10 ss:$0x1], $0xffff  }
0x28d: {  	s13 =	simm.s32 $0x200;
	s28 =	sadd.s32 $0x400, s11;
	v15 =	vld.idx.msk [tilespmem:v3+s2+$0x20 ss:$0x1], $0xffff;
	v4 =	vmul.f32 $2.771281240e+01, v4  }
0x28e: {  	s12 =	sand.u32 $0xC00, s13;
	s14 =	simm.s32 $0x40;
	v18 =	vld [tilespmem:s28+$0x30];
	v5 =	vmul.f32 $2.771281240e+01, v5;
	v7 =	vmul.f32 $2.771281240e+01, v7  }
0x28f: {  	s12 =	sadd.s32 s12, s29;
	s15 =	sand.u32 $0x40, s14;
	v16 =	vld [tilespmem:s28+$0xFFFFFFC0];
	v8 =	vmul.f32 $2.771281240e+01, v8;
	v19 =	vmul.f32 $2.771281240e+01, v9  }
0x290: {  	s12 =	sadd.s32 s15, s12;
	v21 =	vld [tilespmem:s28+$0xFFFFFFF0];
	v9 =	vmul.f32 $2.771281240e+01, v12;
	v17 =	vand.u32 $0xFFFF0000, v6;
	v6 =	vshll.u32 v6, $0x10  }
0x291: {  	v12 =	vld.idx.msk [tilespmem:v3+s12+$0x30 ss:$0x1], $0xffff;
	v20 =	vmul.f32 $2.771281240e+01, v11;
	v11 =	vand.u32 $0xFFFF0000, v13;
	v5 =	vadd.f32 v6, v5  }
0x292: {  	v13 =	vshll.u32 v13, $0x10;
	v6 =	vmul.f32 $2.771281240e+01, v10;
	v10 =	vld [tilespmem:s28+$0xFFFFFFD0];
	v9 =	vadd.f32 v17, v9  }
0x293: {  	v18 =	vmul.f32 $2.771281240e+01, v18;
	v17 =	vld [tilespmem:s28+$0xFFFFFFE0];
	v7 =	vadd.f32 v13, v7;
	[tilespmem:s11+$0x30] =	vst v5;
	v5 =	vadd.f32 v11, v4  }
0x294: {  	v11 =	vand.u32 $0xFFFF0000, v14;
	v14 =	vshll.u32 v14, $0x10;
	v4 =	vmul.f32 $2.771281240e+01, v16;
	[tilespmem:s11+$0x20] =	vst v9;
	v9 =	vld [tilespmem:s28+$0x0]  }
0x295: {  	v16 =	vand.u32 $0xFFFF0000, v15;
	v15 =	vshll.u32 v15, $0x10;
	[tilespmem:s11+$0xFFFFFFD0] =	vst v7;
	v22 =	vadd.f32 v11, v8;
	v8 =	vld [tilespmem:s28+$0x10]  }
0x296: {  	v19 =	vadd.f32 v14, v19;
	v13 =	vadd.f32 v16, v6;
	v14 =	vld [tilespmem:s28+$0x20];
	v7 =	vshll.u32 v12, $0x10;
	[tilespmem:s11+$0xFFFFFFC0] =	vst v5  }
0x297: {  	s30 =	simm.s32 $0x4;
	v11 =	vld.idx.msk [tilespmem:v3+s12+$0x0 ss:$0x1], $0xffff;
	v15 =	vadd.f32 v15, v20;
	v16 =	vadd.f32 v7, v18;
	v7 =	vmul.f32 $2.771281240e+01, v21;
	[tilespmem:s11+$0xFFFFFFE0] =	vst v22  }
0x298: {  	s13 =	simm.s32 $0x80;
	s14 =	simm.s32 $0x400;
	s2 =	smov.u32 s28;
	v5 =	vmul.f32 $2.771281240e+01, v10;
	v10 =	vand.u32 $0xFFFF0000, v12;
	v6 =	vmul.f32 $2.771281240e+01, v17;
	v12 =	vld.idx.msk [tilespmem:v3+s12+$0x10 ss:$0x1], $0xffff;
	[tilespmem:s11+$0xFFFFFFF0] =	vst v19  }
.LBB2_23:
0x299: {  	s15 =	sand.u32 $0xC00, s14;
	s30 =	sadd.s32 $0x4, s30;
	v17 =	vld.idx.msk [tilespmem:v3+s12+$0x20 ss:$0x1], $0xffff;
	v18 =	vmul.f32 $2.771281240e+01, v9;
	[tilespmem:s28+$0x30] =	vst v16;
	s2 =	sadd.s32 $0x400, s2  }
0x29a: {  	s12 =	sand.u32 $0x40, s13;
	s15 =	sadd.s32 s15, s29;
	v9 =	vld [tilespmem:s2+$0xFFFFFFC0];
	p0 =	slt.u32 s30, $0x14;
	v19 =	vmul.f32 $2.771281240e+01, v8;
	[tilespmem:s11+$0x0] =	vst v13  }
0x29b: {  	s12 =	sadd.s32 s12, s15;
	v13 =	vld [tilespmem:s2+$0x30];
	v8 =	vmul.f32 $2.771281240e+01, v14;
	[tilespmem:s11+$0x10] =	vst v15;
	s11 =	smov.u32 s28;
	s28 =	smov.u32 s2  }
0x29c: {  	v14 =	vld.idx.msk [tilespmem:v3+s12+$0x30 ss:$0x1], $0xffff  }
0x29d: {  	v16 =	vand.u32 $0xFFFF0000, v11;
	v11 =	vshll.u32 v11, $0x10;
	v15 =	vld [tilespmem:s2+$0xFFFFFFD0];
	v8 =	vadd.f32 v10, v8  }
0x29e: {  	v10 =	vadd.f32 v16, v4;
	v16 =	vand.u32 $0xFFFF0000, v12;
	v12 =	vshll.u32 v12, $0x10;
	v20 =	vld [tilespmem:s2+$0xFFFFFFE0]  }
0x29f: {  	v22 =	vand.u32 $0xFFFF0000, v17;
	v17 =	vshll.u32 v17, $0x10;
	v4 =	vmul.f32 $2.771281240e+01, v9;
	v21 =	vld [tilespmem:s2+$0xFFFFFFF0];
	[tilespmem:s11+$0x20] =	vst v8  }
.Ltmp10:
0x2a0: {  	v11 =	vadd.f32 v11, v5;
	v23 =	vadd.f32 v16, v6;
	v9 =	vld [tilespmem:s2+$0x0];
	[tilespmem:s11+$0xFFFFFFC0] =	vst v10;
	(pc) =	sbr.rel @p0 .LBB2_23-.Ltmp10, $4  }
0x2a1: {  	v24 =	vadd.f32 v12, v7;
	v16 =	vmul.f32 $2.771281240e+01, v13;
	v13 =	vadd.f32 v22, v18;
	v8 =	vld [tilespmem:s2+$0x10]  }
0x2a2: {  	v10 =	vand.u32 $0xFFFF0000, v14;
	v7 =	vshll.u32 v14, $0x10;
	v5 =	vmul.f32 $2.771281240e+01, v15;
	v14 =	vld [tilespmem:s2+$0x20];
	[tilespmem:s11+$0xFFFFFFD0] =	vst v11  }
0x2a3: {  	v16 =	vadd.f32 v7, v16;
	v15 =	vadd.f32 v17, v19;
	v11 =	vld.idx.msk [tilespmem:v3+s12+$0x0 ss:$0x1], $0xffff;
	v6 =	vmul.f32 $2.771281240e+01, v20;
	[tilespmem:s11+$0xFFFFFFE0] =	vst v23  }
0x2a4: {  	s13 =	sadd.s32 $0x40, s13;
	s14 =	sadd.s32 $0x200, s14;
	v12 =	vld.idx.msk [tilespmem:v3+s12+$0x10 ss:$0x1], $0xffff;
	v7 =	vmul.f32 $2.771281240e+01, v21;
	[tilespmem:s11+$0xFFFFFFF0] =	vst v24  }
0x2a5: {  	_ =	sdelay $0x2  }
0x2a6: {  	v14 =	vmul.f32 $2.771281240e+01, v14  }
0x2a7: {  	v3 =	vld.idx.msk [tilespmem:v3+s12+$0x20 ss:$0x1], $0xffff;
	[tilespmem:s28+$0x30] =	vst v16  }
0x2a8: {  	[tilespmem:s11+$0x0] =	vst v13;
	v56 =	vand.u32 $0xFFFF0000, v11;
	v10 =	vadd.f32 v10, v14  }
0x2a9: {  	[tilespmem:s11+$0x10] =	vst v15;
	v57 =	vshll.u32 v11, $0x10;
	v4 =	vadd.f32 v56, v4  }
0x2aa: {  	s9 =	sadd.s32 $0x1, s9;
	v58 =	vand.u32 $0xFFFF0000, v12;
	v5 =	vadd.f32 v57, v5;
	[tilespmem:s28+$0x20] =	vst v10  }
0x2ab: {  	v9 =	vmul.f32 $2.771281240e+01, v9;
	p0 =	sne.s32 s9, $0x40;
	v59 =	vshll.u32 v12, $0x10;
	v60 =	vadd.f32 v58, v6;
	[tilespmem:s28+$0xFFFFFFC0] =	vst v4  }
.Ltmp11:
0x2ac: {  	v61 =	vmul.f32 $2.771281240e+01, v8;
	v62 =	vand.u32 $0xFFFF0000, v3;
	v7 =	vadd.f32 v59, v7;
	[tilespmem:s28+$0xFFFFFFD0] =	vst v5;
	(pc) =	sbr.rel @p0 .LBB2_22-.Ltmp11, $4  }
0x2ad: {  	v3 =	vshll.u32 v3, $0x10;
	v63 =	vadd.f32 v62, v9;
	[tilespmem:s28+$0xFFFFFFE0] =	vst v60  }
0x2ae: {  	v3 =	vadd.f32 v3, v61;
	[tilespmem:s28+$0xFFFFFFF0] =	vst v7  }
0x2af: {  	[tilespmem:s28+$0x0] =	vst v63  }
0x2b0: {  	s26 =	sadd.s32 $0x1, s26;
	[tilespmem:s28+$0x10] =	vst v3  }
0x2b1: {  	s24 =	simm.s32 $0x0;
	s2 =	rddreg [dreg:$0xa]  }
0x2b2: {  	[hbm4b:s2+s24] =	stream.linear.scatter [tilespmem:s0], [sflag:$0x3], $0x6000, $0x38;
	[tilespmem:$0x1E200] =	vst v63  }
0x2b3: {  	_ =	swait.ge [sflag:s21], $0xC000  }
0x2b4: {  	[sflag:s21] =	ssyncset.done $0x0  }
0x2b5: {  	s9 =	simm.s32 $0x0;
	s26 =	simm.s32 $0x0;
	[sflag:s21] =	ssyncadd.s32 $0xFFFF4000  }
.LBB2_26:
0x2b6: {  	s2 =	sshrl.u32 s26, $0x3  }
0x2b7: {  	s12 =	sand.u32 $0x7, s9;
	s11 =	smul.u32 $0x6000, s2  }
0x2b8: {  	s12 =	sshll.u32 s12, $0x9  }
0x2b9: {  	s11 =	sor.u32 s12, s11  }
0x2ba: {  	s11 =	sshra.s32 s11, $0x2  }
0x2bb: {  	s11 =	sadd.s32 $0x12240, s11  }
0x2bc: {  	v4 =	vld [tilespmem:s11+$0xFFFFFFC0]  }
0x2bd: {  	s13 =	sshll.u32 s26, $0x7;
	v5 =	vld [tilespmem:s11+$0x30]  }
0x2be: {  	s13 =	sand.u32 $0x380, s13;
	s2 =	smul.u32 $0x3000, s2;
	v7 =	vld [tilespmem:s11+$0xFFFFFFD0]  }
0x2bf: {  	v3 =	vmov s13;
	v8 =	vld [tilespmem:s11+$0xFFFFFFE0]  }
0x2c0: {  	s2 =	sshra.s32 s2, $0x2;
	v9 =	vld [tilespmem:s11+$0xFFFFFFF0]  }
0x2c1: {  	s14 =	sand.u32 $0xC00, s24;
	s29 =	sor.u32 $0x200, s2;
	v10 =	vld [tilespmem:s11+$0x0]  }
0x2c2: {  	s15 =	sand.u32 $0x40, s24;
	s2 =	sadd.s32 s14, s29;
	v11 =	vld [tilespmem:s11+$0x10]  }
0x2c3: {  	s2 =	sadd.s32 s15, s2;
	v12 =	vld [tilespmem:s11+$0x20]  }
0x2c4: {  	v6 =	vld.idx.msk [tilespmem:v3+s2+$0x30 ss:$0x1], $0xffff  }
0x2c5: {  	v13 =	vld.idx.msk [tilespmem:v3+s2+$0x0 ss:$0x1], $0xffff  }
0x2c6: {  	v14 =	vld.idx.msk [tilespmem:v3+s2+$0x10 ss:$0x1], $0xffff  }
0x2c7: {  	s13 =	simm.s32 $0x200;
	s28 =	sadd.s32 $0x400, s11;
	v15 =	vld.idx.msk [tilespmem:v3+s2+$0x20 ss:$0x1], $0xffff;
	v4 =	vmul.f32 $2.771281240e+01, v4  }
0x2c8: {  	s12 =	sand.u32 $0xC00, s13;
	s14 =	simm.s32 $0x40;
	v18 =	vld [tilespmem:s28+$0x30];
	v5 =	vmul.f32 $2.771281240e+01, v5;
	v7 =	vmul.f32 $2.771281240e+01, v7  }
0x2c9: {  	s12 =	sadd.s32 s12, s29;
	s15 =	sand.u32 $0x40, s14;
	v16 =	vld [tilespmem:s28+$0xFFFFFFC0];
	v8 =	vmul.f32 $2.771281240e+01, v8;
	v19 =	vmul.f32 $2.771281240e+01, v9  }
0x2ca: {  	s12 =	sadd.s32 s15, s12;
	v21 =	vld [tilespmem:s28+$0xFFFFFFF0];
	v9 =	vmul.f32 $2.771281240e+01, v12;
	v17 =	vand.u32 $0xFFFF0000, v6;
	v6 =	vshll.u32 v6, $0x10  }
0x2cb: {  	v12 =	vld.idx.msk [tilespmem:v3+s12+$0x30 ss:$0x1], $0xffff;
	v20 =	vmul.f32 $2.771281240e+01, v11;
	v11 =	vand.u32 $0xFFFF0000, v13;
	v5 =	vadd.f32 v6, v5  }
0x2cc: {  	v13 =	vshll.u32 v13, $0x10;
	v6 =	vmul.f32 $2.771281240e+01, v10;
	v10 =	vld [tilespmem:s28+$0xFFFFFFD0];
	v9 =	vadd.f32 v17, v9  }
0x2cd: {  	v18 =	vmul.f32 $2.771281240e+01, v18;
	v17 =	vld [tilespmem:s28+$0xFFFFFFE0];
	v7 =	vadd.f32 v13, v7;
	[tilespmem:s11+$0x30] =	vst v5;
	v5 =	vadd.f32 v11, v4  }
0x2ce: {  	v11 =	vand.u32 $0xFFFF0000, v14;
	v14 =	vshll.u32 v14, $0x10;
	v4 =	vmul.f32 $2.771281240e+01, v16;
	[tilespmem:s11+$0x20] =	vst v9;
	v9 =	vld [tilespmem:s28+$0x0]  }
0x2cf: {  	v16 =	vand.u32 $0xFFFF0000, v15;
	v15 =	vshll.u32 v15, $0x10;
	[tilespmem:s11+$0xFFFFFFD0] =	vst v7;
	v22 =	vadd.f32 v11, v8;
	v8 =	vld [tilespmem:s28+$0x10]  }
0x2d0: {  	v19 =	vadd.f32 v14, v19;
	v13 =	vadd.f32 v16, v6;
	v14 =	vld [tilespmem:s28+$0x20];
	v7 =	vshll.u32 v12, $0x10;
	[tilespmem:s11+$0xFFFFFFC0] =	vst v5  }
0x2d1: {  	s30 =	simm.s32 $0x4;
	v11 =	vld.idx.msk [tilespmem:v3+s12+$0x0 ss:$0x1], $0xffff;
	v15 =	vadd.f32 v15, v20;
	v16 =	vadd.f32 v7, v18;
	v7 =	vmul.f32 $2.771281240e+01, v21;
	[tilespmem:s11+$0xFFFFFFE0] =	vst v22  }
0x2d2: {  	s13 =	simm.s32 $0x80;
	s14 =	simm.s32 $0x400;
	s2 =	smov.u32 s28;
	v5 =	vmul.f32 $2.771281240e+01, v10;
	v10 =	vand.u32 $0xFFFF0000, v12;
	v6 =	vmul.f32 $2.771281240e+01, v17;
	v12 =	vld.idx.msk [tilespmem:v3+s12+$0x10 ss:$0x1], $0xffff;
	[tilespmem:s11+$0xFFFFFFF0] =	vst v19  }
.LBB2_27:
0x2d3: {  	s15 =	sand.u32 $0xC00, s14;
	s30 =	sadd.s32 $0x4, s30;
	v17 =	vld.idx.msk [tilespmem:v3+s12+$0x20 ss:$0x1], $0xffff;
	v18 =	vmul.f32 $2.771281240e+01, v9;
	[tilespmem:s28+$0x30] =	vst v16;
	s2 =	sadd.s32 $0x400, s2  }
0x2d4: {  	s12 =	sand.u32 $0x40, s13;
	s15 =	sadd.s32 s15, s29;
	v9 =	vld [tilespmem:s2+$0xFFFFFFC0];
	p0 =	slt.u32 s30, $0x14;
	v19 =	vmul.f32 $2.771281240e+01, v8;
	[tilespmem:s11+$0x0] =	vst v13  }
0x2d5: {  	s12 =	sadd.s32 s12, s15;
	v13 =	vld [tilespmem:s2+$0x30];
	v8 =	vmul.f32 $2.771281240e+01, v14;
	[tilespmem:s11+$0x10] =	vst v15;
	s11 =	smov.u32 s28;
	s28 =	smov.u32 s2  }
0x2d6: {  	v14 =	vld.idx.msk [tilespmem:v3+s12+$0x30 ss:$0x1], $0xffff  }
0x2d7: {  	v16 =	vand.u32 $0xFFFF0000, v11;
	v11 =	vshll.u32 v11, $0x10;
	v15 =	vld [tilespmem:s2+$0xFFFFFFD0];
	v8 =	vadd.f32 v10, v8  }
0x2d8: {  	v10 =	vadd.f32 v16, v4;
	v16 =	vand.u32 $0xFFFF0000, v12;
	v12 =	vshll.u32 v12, $0x10;
	v20 =	vld [tilespmem:s2+$0xFFFFFFE0]  }
0x2d9: {  	v22 =	vand.u32 $0xFFFF0000, v17;
	v17 =	vshll.u32 v17, $0x10;
	v4 =	vmul.f32 $2.771281240e+01, v9;
	v21 =	vld [tilespmem:s2+$0xFFFFFFF0];
	[tilespmem:s11+$0x20] =	vst v8  }
.Ltmp12:
0x2da: {  	v11 =	vadd.f32 v11, v5;
	v23 =	vadd.f32 v16, v6;
	v9 =	vld [tilespmem:s2+$0x0];
	[tilespmem:s11+$0xFFFFFFC0] =	vst v10;
	(pc) =	sbr.rel @p0 .LBB2_27-.Ltmp12, $4  }
0x2db: {  	v24 =	vadd.f32 v12, v7;
	v16 =	vmul.f32 $2.771281240e+01, v13;
	v13 =	vadd.f32 v22, v18;
	v8 =	vld [tilespmem:s2+$0x10]  }
0x2dc: {  	v10 =	vand.u32 $0xFFFF0000, v14;
	v7 =	vshll.u32 v14, $0x10;
	v5 =	vmul.f32 $2.771281240e+01, v15;
	v14 =	vld [tilespmem:s2+$0x20];
	[tilespmem:s11+$0xFFFFFFD0] =	vst v11  }
0x2dd: {  	v16 =	vadd.f32 v7, v16;
	v15 =	vadd.f32 v17, v19;
	v11 =	vld.idx.msk [tilespmem:v3+s12+$0x0 ss:$0x1], $0xffff;
	v6 =	vmul.f32 $2.771281240e+01, v20;
	[tilespmem:s11+$0xFFFFFFE0] =	vst v23  }
0x2de: {  	s13 =	sadd.s32 $0x40, s13;
	s14 =	sadd.s32 $0x200, s14;
	v12 =	vld.idx.msk [tilespmem:v3+s12+$0x10 ss:$0x1], $0xffff;
	v7 =	vmul.f32 $2.771281240e+01, v21;
	[tilespmem:s11+$0xFFFFFFF0] =	vst v24  }
0x2df: {  	_ =	sdelay $0x2  }
0x2e0: {  	v14 =	vmul.f32 $2.771281240e+01, v14  }
0x2e1: {  	v3 =	vld.idx.msk [tilespmem:v3+s12+$0x20 ss:$0x1], $0xffff;
	[tilespmem:s28+$0x30] =	vst v16  }
0x2e2: {  	[tilespmem:s11+$0x0] =	vst v13;
	v56 =	vand.u32 $0xFFFF0000, v11;
	v10 =	vadd.f32 v10, v14  }
0x2e3: {  	[tilespmem:s11+$0x10] =	vst v15;
	v57 =	vshll.u32 v11, $0x10;
	v4 =	vadd.f32 v56, v4  }
0x2e4: {  	s26 =	sadd.s32 $0x1, s26;
	v58 =	vand.u32 $0xFFFF0000, v12;
	v5 =	vadd.f32 v57, v5;
	[tilespmem:s28+$0x20] =	vst v10  }
0x2e5: {  	v9 =	vmul.f32 $2.771281240e+01, v9;
	p0 =	sne.s32 s26, $0x20;
	v59 =	vshll.u32 v12, $0x10;
	v60 =	vadd.f32 v58, v6;
	[tilespmem:s28+$0xFFFFFFC0] =	vst v4  }
.Ltmp13:
0x2e6: {  	v61 =	vmul.f32 $2.771281240e+01, v8;
	v62 =	vand.u32 $0xFFFF0000, v3;
	v7 =	vadd.f32 v59, v7;
	[tilespmem:s28+$0xFFFFFFD0] =	vst v5;
	(pc) =	sbr.rel @p0 .LBB2_26-.Ltmp13, $4  }
0x2e7: {  	v3 =	vshll.u32 v3, $0x10;
	v63 =	vadd.f32 v62, v9;
	[tilespmem:s28+$0xFFFFFFE0] =	vst v60  }
0x2e8: {  	v3 =	vadd.f32 v3, v61;
	[tilespmem:s28+$0xFFFFFFF0] =	vst v7  }
0x2e9: {  	[tilespmem:s28+$0x0] =	vst v63  }
0x2ea: {  	s9 =	sadd.s32 $0x1, s9;
	[tilespmem:s28+$0x10] =	vst v3  }
0x2eb: {  	s24 =	simm.s32 $0x0  }
0x2ec: {  	s2 =	rddreg [dreg:$0xb];
	s9 =	simm.s32 $0x20;
	s26 =	simm.s32 $0x0  }
0x2ed: {  	[hbm4b:s2+s24] =	stream.linear.scatter [tilespmem:s31], [sflag:$0x4], $0x6000, $0x38;
	[tilespmem:$0x1E200] =	vst v63  }
.LBB2_30:
0x2ee: {  	s2 =	sshrl.u32 s9, $0x3  }
0x2ef: {  	s12 =	sand.u32 $0x7, s26;
	s11 =	smul.u32 $0x6000, s2  }
0x2f0: {  	s12 =	sshll.u32 s12, $0x9  }
0x2f1: {  	s11 =	sor.u32 s12, s11  }
0x2f2: {  	s11 =	sshra.s32 s11, $0x2  }
0x2f3: {  	s11 =	sadd.s32 $0x12240, s11  }
0x2f4: {  	v4 =	vld [tilespmem:s11+$0xFFFFFFC0]  }
0x2f5: {  	s13 =	sshll.u32 s9, $0x7;
	v5 =	vld [tilespmem:s11+$0x30]  }
0x2f6: {  	s13 =	sand.u32 $0x380, s13;
	s2 =	smul.u32 $0x3000, s2;
	v7 =	vld [tilespmem:s11+$0xFFFFFFD0]  }
0x2f7: {  	v3 =	vmov s13;
	v8 =	vld [tilespmem:s11+$0xFFFFFFE0]  }
0x2f8: {  	s2 =	sshra.s32 s2, $0x2;
	v9 =	vld [tilespmem:s11+$0xFFFFFFF0]  }
0x2f9: {  	s14 =	sand.u32 $0xC00, s24;
	s29 =	sor.u32 $0x200, s2;
	v10 =	vld [tilespmem:s11+$0x0]  }
0x2fa: {  	s15 =	sand.u32 $0x40, s24;
	s2 =	sadd.s32 s14, s29;
	v11 =	vld [tilespmem:s11+$0x10]  }
0x2fb: {  	s2 =	sadd.s32 s15, s2;
	v12 =	vld [tilespmem:s11+$0x20]  }
0x2fc: {  	v6 =	vld.idx.msk [tilespmem:v3+s2+$0x30 ss:$0x1], $0xffff  }
0x2fd: {  	v13 =	vld.idx.msk [tilespmem:v3+s2+$0x0 ss:$0x1], $0xffff  }
0x2fe: {  	v14 =	vld.idx.msk [tilespmem:v3+s2+$0x10 ss:$0x1], $0xffff  }
0x2ff: {  	s13 =	simm.s32 $0x200;
	s28 =	sadd.s32 $0x400, s11;
	v15 =	vld.idx.msk [tilespmem:v3+s2+$0x20 ss:$0x1], $0xffff;
	v4 =	vmul.f32 $2.771281240e+01, v4  }
0x300: {  	s12 =	sand.u32 $0xC00, s13;
	s14 =	simm.s32 $0x40;
	v18 =	vld [tilespmem:s28+$0x30];
	v5 =	vmul.f32 $2.771281240e+01, v5;
	v7 =	vmul.f32 $2.771281240e+01, v7  }
0x301: {  	s12 =	sadd.s32 s12, s29;
	s15 =	sand.u32 $0x40, s14;
	v16 =	vld [tilespmem:s28+$0xFFFFFFC0];
	v8 =	vmul.f32 $2.771281240e+01, v8;
	v19 =	vmul.f32 $2.771281240e+01, v9  }
0x302: {  	s12 =	sadd.s32 s15, s12;
	v21 =	vld [tilespmem:s28+$0xFFFFFFF0];
	v9 =	vmul.f32 $2.771281240e+01, v12;
	v17 =	vand.u32 $0xFFFF0000, v6;
	v6 =	vshll.u32 v6, $0x10  }
0x303: {  	v12 =	vld.idx.msk [tilespmem:v3+s12+$0x30 ss:$0x1], $0xffff;
	v20 =	vmul.f32 $2.771281240e+01, v11;
	v11 =	vand.u32 $0xFFFF0000, v13;
	v5 =	vadd.f32 v6, v5  }
0x304: {  	v13 =	vshll.u32 v13, $0x10;
	v6 =	vmul.f32 $2.771281240e+01, v10;
	v10 =	vld [tilespmem:s28+$0xFFFFFFD0];
	v9 =	vadd.f32 v17, v9  }
0x305: {  	v18 =	vmul.f32 $2.771281240e+01, v18;
	v17 =	vld [tilespmem:s28+$0xFFFFFFE0];
	v7 =	vadd.f32 v13, v7;
	[tilespmem:s11+$0x30] =	vst v5;
	v5 =	vadd.f32 v11, v4  }
0x306: {  	v11 =	vand.u32 $0xFFFF0000, v14;
	v14 =	vshll.u32 v14, $0x10;
	v4 =	vmul.f32 $2.771281240e+01, v16;
	[tilespmem:s11+$0x20] =	vst v9;
	v9 =	vld [tilespmem:s28+$0x0]  }
0x307: {  	v16 =	vand.u32 $0xFFFF0000, v15;
	v15 =	vshll.u32 v15, $0x10;
	[tilespmem:s11+$0xFFFFFFD0] =	vst v7;
	v22 =	vadd.f32 v11, v8;
	v8 =	vld [tilespmem:s28+$0x10]  }
0x308: {  	v19 =	vadd.f32 v14, v19;
	v13 =	vadd.f32 v16, v6;
	v14 =	vld [tilespmem:s28+$0x20];
	v7 =	vshll.u32 v12, $0x10;
	[tilespmem:s11+$0xFFFFFFC0] =	vst v5  }
0x309: {  	s30 =	simm.s32 $0x4;
	v11 =	vld.idx.msk [tilespmem:v3+s12+$0x0 ss:$0x1], $0xffff;
	v15 =	vadd.f32 v15, v20;
	v16 =	vadd.f32 v7, v18;
	v7 =	vmul.f32 $2.771281240e+01, v21;
	[tilespmem:s11+$0xFFFFFFE0] =	vst v22  }
0x30a: {  	s13 =	simm.s32 $0x80;
	s14 =	simm.s32 $0x400;
	s2 =	smov.u32 s28;
	v5 =	vmul.f32 $2.771281240e+01, v10;
	v10 =	vand.u32 $0xFFFF0000, v12;
	v6 =	vmul.f32 $2.771281240e+01, v17;
	v12 =	vld.idx.msk [tilespmem:v3+s12+$0x10 ss:$0x1], $0xffff;
	[tilespmem:s11+$0xFFFFFFF0] =	vst v19  }
.LBB2_31:
0x30b: {  	s15 =	sand.u32 $0xC00, s14;
	s30 =	sadd.s32 $0x4, s30;
	v17 =	vld.idx.msk [tilespmem:v3+s12+$0x20 ss:$0x1], $0xffff;
	v18 =	vmul.f32 $2.771281240e+01, v9;
	[tilespmem:s28+$0x30] =	vst v16;
	s2 =	sadd.s32 $0x400, s2  }
0x30c: {  	s12 =	sand.u32 $0x40, s13;
	s15 =	sadd.s32 s15, s29;
	v9 =	vld [tilespmem:s2+$0xFFFFFFC0];
	p0 =	slt.u32 s30, $0x14;
	v19 =	vmul.f32 $2.771281240e+01, v8;
	[tilespmem:s11+$0x0] =	vst v13  }
0x30d: {  	s12 =	sadd.s32 s12, s15;
	v13 =	vld [tilespmem:s2+$0x30];
	v8 =	vmul.f32 $2.771281240e+01, v14;
	[tilespmem:s11+$0x10] =	vst v15;
	s11 =	smov.u32 s28;
	s28 =	smov.u32 s2  }
0x30e: {  	v14 =	vld.idx.msk [tilespmem:v3+s12+$0x30 ss:$0x1], $0xffff  }
0x30f: {  	v16 =	vand.u32 $0xFFFF0000, v11;
	v11 =	vshll.u32 v11, $0x10;
	v15 =	vld [tilespmem:s2+$0xFFFFFFD0];
	v8 =	vadd.f32 v10, v8  }
0x310: {  	v10 =	vadd.f32 v16, v4;
	v16 =	vand.u32 $0xFFFF0000, v12;
	v12 =	vshll.u32 v12, $0x10;
	v20 =	vld [tilespmem:s2+$0xFFFFFFE0]  }
0x311: {  	v22 =	vand.u32 $0xFFFF0000, v17;
	v17 =	vshll.u32 v17, $0x10;
	v4 =	vmul.f32 $2.771281240e+01, v9;
	v21 =	vld [tilespmem:s2+$0xFFFFFFF0];
	[tilespmem:s11+$0x20] =	vst v8  }
.Ltmp14:
0x312: {  	v11 =	vadd.f32 v11, v5;
	v23 =	vadd.f32 v16, v6;
	v9 =	vld [tilespmem:s2+$0x0];
	[tilespmem:s11+$0xFFFFFFC0] =	vst v10;
	(pc) =	sbr.rel @p0 .LBB2_31-.Ltmp14, $4  }
0x313: {  	v24 =	vadd.f32 v12, v7;
	v16 =	vmul.f32 $2.771281240e+01, v13;
	v13 =	vadd.f32 v22, v18;
	v8 =	vld [tilespmem:s2+$0x10]  }
0x314: {  	v10 =	vand.u32 $0xFFFF0000, v14;
	v7 =	vshll.u32 v14, $0x10;
	v5 =	vmul.f32 $2.771281240e+01, v15;
	v14 =	vld [tilespmem:s2+$0x20];
	[tilespmem:s11+$0xFFFFFFD0] =	vst v11  }
0x315: {  	v16 =	vadd.f32 v7, v16;
	v15 =	vadd.f32 v17, v19;
	v11 =	vld.idx.msk [tilespmem:v3+s12+$0x0 ss:$0x1], $0xffff;
	v6 =	vmul.f32 $2.771281240e+01, v20;
	[tilespmem:s11+$0xFFFFFFE0] =	vst v23  }
0x316: {  	s13 =	sadd.s32 $0x40, s13;
	s14 =	sadd.s32 $0x200, s14;
	v12 =	vld.idx.msk [tilespmem:v3+s12+$0x10 ss:$0x1], $0xffff;
	v7 =	vmul.f32 $2.771281240e+01, v21;
	[tilespmem:s11+$0xFFFFFFF0] =	vst v24  }
0x317: {  	_ =	sdelay $0x2  }
0x318: {  	v14 =	vmul.f32 $2.771281240e+01, v14  }
0x319: {  	v3 =	vld.idx.msk [tilespmem:v3+s12+$0x20 ss:$0x1], $0xffff;
	[tilespmem:s28+$0x30] =	vst v16  }
0x31a: {  	[tilespmem:s11+$0x0] =	vst v13;
	v56 =	vand.u32 $0xFFFF0000, v11;
	v10 =	vadd.f32 v10, v14  }
0x31b: {  	[tilespmem:s11+$0x10] =	vst v15;
	v57 =	vshll.u32 v11, $0x10;
	v4 =	vadd.f32 v56, v4  }
0x31c: {  	s9 =	sadd.s32 $0x1, s9;
	v58 =	vand.u32 $0xFFFF0000, v12;
	v5 =	vadd.f32 v57, v5;
	[tilespmem:s28+$0x20] =	vst v10  }
0x31d: {  	v9 =	vmul.f32 $2.771281240e+01, v9;
	p0 =	sne.s32 s9, $0x40;
	v59 =	vshll.u32 v12, $0x10;
	v60 =	vadd.f32 v58, v6;
	[tilespmem:s28+$0xFFFFFFC0] =	vst v4  }
.Ltmp15:
0x31e: {  	v61 =	vmul.f32 $2.771281240e+01, v8;
	v62 =	vand.u32 $0xFFFF0000, v3;
	v7 =	vadd.f32 v59, v7;
	[tilespmem:s28+$0xFFFFFFD0] =	vst v5;
	(pc) =	sbr.rel @p0 .LBB2_30-.Ltmp15, $4  }
0x31f: {  	v3 =	vshll.u32 v3, $0x10;
	v63 =	vadd.f32 v62, v9;
	[tilespmem:s28+$0xFFFFFFE0] =	vst v60  }
0x320: {  	v3 =	vadd.f32 v3, v61;
	[tilespmem:s28+$0xFFFFFFF0] =	vst v7  }
0x321: {  	[tilespmem:s28+$0x0] =	vst v63  }
0x322: {  	s26 =	sadd.s32 $0x1, s26;
	[tilespmem:s28+$0x10] =	vst v3  }
0x323: {  	s2 =	rddreg [dreg:$0xc]  }
0x324: {  	[hbm4b:s2+s3] =	stream.linear.scatter [tilespmem:s10], [sflag:$0x4], $0x6000, $0x38;
	[tilespmem:$0x1E200] =	vst v63  }
0x325: {  	_ =	swait.ge [sflag:s5], $0x6000  }
0x326: {  	[sflag:s5] =	ssyncset.done $0x0  }
0x327: {  	[sflag:s5] =	ssyncadd.s32 $0xFFFFA000  }
0x328: {  	_ =	swait.ge [sflag:s5], $0x6000  }
0x329: {  	[sflag:s5] =	ssyncset.done $0x0  }
0x32a: {  	[sflag:s5] =	ssyncadd.s32 $0xFFFFA000  }
0x32b: {  	_ =	swait.ge [sflag:s22], $0x6000  }
0x32c: {  	[sflag:s22] =	ssyncset.done $0x0  }
0x32d: {  	[sflag:s22] =	ssyncadd.s32 $0xFFFFA000  }
0x32e: {  	_ =	swait.ge [sflag:s22], $0x6000  }
0x32f: {  	s23 =	sadd.s32 $0x1, s23;
	s30 =	rddreg [dreg:$0xd]  }
0x330: {  	p0 =	sne.s32 s23, s30  }
.Ltmp16:
0x331: {  	_ = 	snop;
	(pc) =	sbr.rel @p0 .LBB2_1-.Ltmp16, $3  }
0x332: {  	_ =	sdelay $0x1  }
0x333: {  	[sflag:s22] =	ssyncset.done $0x0  }
0x334: {  	[sflag:s22] =	ssyncadd.s32 $0xFFFFA000  }
0x335: {  	_ =	sfence.sel $0x180000  }
0x336: {  	[bflag:$0x0] =	sbarrier.arrive $0xFFFF  }
0x337: {  	_ =	strace $0x90000047  }
0x338: {  	s0 =	stileid.u32;
	[bflag:$0x2] =	sbarrier.arrive $0xFFFF  }
0x339: {  	p0 =	sne.s32 s0, $0x0;
	s0 =	rddreg [dreg:$0x3]  }
0x33a: {  	s0 =	sadd.s32 @!p0 $0x100000, s0  }
0x33b: {  	[sflag:s0] =	ssyncadd.tile.s32 @!p0 $0x1;
	_ =	shalt  }
.Lfunc_end2:
_tile_overlayer_lowered:
.L_overlay_start_2:
0x33c: {  	(tag) =	ssettag $0x2  }
0x33d: {  	s0 =	rddreg [dreg:$0x0];
	s2 =	stileid.u32  }
0x33e: {  	s1 =	rddreg [dreg:$0x1];
	p0 =	sne.s32 s2, $0x0  }
0x33f: {  	s3 =	rddreg [dreg:$0x2];
	[bflag:$0x3] =	sbarrier.arrive $0xFFFF;
	s2 =	simm.s32 @!p0 $0x1C06  }
0x340: {  	[timem:s3], [sflag:s2] =	dma.local @!p0 [hbm:s0], s1  }
0x341: {  	s0 =	simm.s32 @!p0 $0x6  }
0x342: {  	_ =	swait.ge @!p0 [sflag:s0], s1  }
0x343: {  	s1 =	ssub.s32 @!p0 $0x0, s1;
	[sflag:s0] =	ssyncset.done @!p0 $0x0  }
0x344: {  	[sflag:s0] =	ssyncadd.s32 @!p0 s1  }
0x345: {  	[bflag:$0x3] =	sbarrier.arrive $0xFFFF  }
0x346: {  	_ =	shalt  }

</sc_bundles>
